<compile_context>
chip_gen: v7x
topology: tpu7x:2x2x1
jax: 0.10.2.dev20260603
libtpu: 0.0.44.dev20260713+nightly
codegen_flags: <defaults>
</compile_context>

<pallas_src>
import functools

import jax
import jax.numpy as jnp
from jax import lax
from jax.experimental import pallas as pl
from jax.experimental.pallas import tpu as pltpu
from jax.experimental.pallas import tpu_sc as plsc

N = 10000
E = 320000
D = 128

NC = 2
NS = 16
NW = NC * NS
EPT = E // NW
EB = 80
NBLK = EPT // EB
ZT = 1000
NZ = N // ZT

R = 400
G = N // R
EPS = 1e-5


def _fill_idx(big_v, j, buf_v):
    for k in range(EB // 16):
        buf_v[pl.ds(k * 16, 16)] = big_v[pl.ds(j * EB + k * 16, 16)]


def _deg_body(dst_hbm, ones_hbm, zeros_hbm, out_hbm, ones_v, dsts_v, dbuf_v,
              stage_v, acc_sh):
    c = lax.axis_index("c")
    s = lax.axis_index("s")
    w = c * NS + s
    row0 = pl.multiple_of(s * ZT, 8)

    @pl.when(s < NZ)
    def _zero():
        pltpu.sync_copy(zeros_hbm, stage_v)
        pltpu.sync_copy(stage_v, acc_sh.at[pl.ds(row0, ZT)])

    pltpu.sync_copy(ones_hbm, ones_v)
    base = pl.multiple_of(w * EPT, EB)
    pltpu.sync_copy(dst_hbm.at[pl.ds(base, EPT)], dsts_v)
    plsc.subcore_barrier()

    @pl.loop(0, NBLK)
    def _blk(i):
        _fill_idx(dsts_v, i, dbuf_v)
        pltpu.sync_copy(ones_v, acc_sh.at[dbuf_v], add=True)

    plsc.subcore_barrier()

    @pl.when(s < NZ)
    def _out():
        pltpu.sync_copy(acc_sh.at[pl.ds(row0, ZT)], stage_v)
        pltpu.sync_copy(stage_v,
                        out_hbm.at[pl.ds(pl.multiple_of(c * N, 8) + row0, ZT)])


@functools.lru_cache(maxsize=None)
def _sc_mesh():
    return plsc.VectorSubcoreMesh(core_axis_name="c", subcore_axis_name="s",
                                  num_cores=NC, num_subcores=NS)


@functools.lru_cache(maxsize=None)
def _deg_call():
    return pl.kernel(
        _deg_body,
        out_type=jax.ShapeDtypeStruct((NC * N,), jnp.float32),
        mesh=_sc_mesh(),
        scratch_types=[
            pltpu.VMEM((EB,), jnp.float32),
            pltpu.VMEM((EPT,), jnp.int32),
            pltpu.VMEM((EB,), jnp.int32),
            pltpu.VMEM((ZT,), jnp.float32),
            pltpu.VMEM_SHARED((N,), jnp.float32),
        ],
    )


def _scat_body(h_hbm, src_hbm, dst_hbm, zeros_hbm, out_hbm,
               srcs_v, dbuf_0, dbuf_1, dbuf_2,
               rows_0, rows_1, rows_2, acc_sh,
               gsem_0, gsem_1, gsem_2, ssem_0, ssem_1, ssem_2):
    c = lax.axis_index("c")
    s = lax.axis_index("s")
    w = c * NS + s
    row0 = pl.multiple_of(s * ZT, 8)

    @pl.when(s < NZ)
    def _zero():
        pltpu.sync_copy(zeros_hbm, acc_sh.at[pl.ds(row0, ZT)])

    base = pl.multiple_of(w * EPT, EB)
    pltpu.sync_copy(src_hbm.at[pl.ds(base, EPT)], srcs_v)
    plsc.subcore_barrier()

    def _src_blk(j):
        return srcs_v.at[pl.ds(pl.multiple_of(j * EB, 8), EB)]

    def _dst_blk(j):
        return dst_hbm.at[pl.ds(pl.multiple_of(base + j * EB, 8), EB)]

    dbuf = (dbuf_0, dbuf_1, dbuf_2)
    rows = (rows_0, rows_1, rows_2)
    gsem = (gsem_0, gsem_1, gsem_2)
    ssem = (ssem_0, ssem_1, ssem_2)

    def _issue(j, b):
        pltpu.async_copy(_dst_blk(j), dbuf[b], gsem[b])
        pltpu.async_copy(h_hbm.at[_src_blk(j)], rows[b], gsem[b])

    def _await(j, b):
        pltpu.make_async_copy(_dst_blk(j), dbuf[b], gsem[b]).wait()
        pltpu.make_async_copy(h_hbm.at[_src_blk(j)], rows[b], gsem[b]).wait()

    _issue(0, 0)
    _issue(1, 1)

    @pl.loop(0, NBLK, step=3)
    def _blk(i):
        for b in range(3):
            j = i + b
            b2 = (b + 2) % 3

            @pl.when(j < NBLK)
            def _do():
                _await(j, b)
                pltpu.async_copy(rows[b], acc_sh.at[dbuf[b]], ssem[b],
                                 add=True)

                @pl.when(j + 2 < NBLK)
                def _next():
                    @pl.when(j >= 1)
                    def _free():
                        pltpu.make_async_copy(rows[b2], acc_sh.at[dbuf[b2]],
                                              ssem[b2]).wait()
                    _issue(j + 2, b2)

    for j in (NBLK - 3, NBLK - 2, NBLK - 1):
        b = j % 3
        pltpu.make_async_copy(rows[b], acc_sh.at[dbuf[b]], ssem[b]).wait()

    plsc.subcore_barrier()

    @pl.when(s < NZ)
    def _out():
        pltpu.sync_copy(acc_sh.at[pl.ds(row0, ZT)],
                        out_hbm.at[c, pl.ds(row0, ZT)])


@functools.lru_cache(maxsize=None)
def _scat_call():
    return pl.kernel(
        _scat_body,
        out_type=jax.ShapeDtypeStruct((NC, N, D), jnp.float32),
        mesh=_sc_mesh(),
        scratch_types=[
            pltpu.VMEM((EPT,), jnp.int32),
            pltpu.VMEM((EB,), jnp.int32),
            pltpu.VMEM((EB,), jnp.int32),
            pltpu.VMEM((EB,), jnp.int32),
            pltpu.VMEM((EB, D), jnp.float32),
            pltpu.VMEM((EB, D), jnp.float32),
            pltpu.VMEM((EB, D), jnp.float32),
            pltpu.VMEM_SHARED((N, D), jnp.float32),
            pltpu.SemaphoreType.DMA,
            pltpu.SemaphoreType.DMA,
            pltpu.SemaphoreType.DMA,
            pltpu.SemaphoreType.DMA,
            pltpu.SemaphoreType.DMA,
            pltpu.SemaphoreType.DMA,
        ],
    )



def _dinv_block(d0, d1):
    deg = d0 + d1 + 1.0
    return lax.rsqrt(deg)


def _mm_scale_body(x_ref, w_ref, d0_ref, d1_ref, o_ref):
    dinv = _dinv_block(d0_ref[...], d1_ref[...])
    o_ref[...] = jnp.dot(x_ref[...], w_ref[...],
                         preferred_element_type=jnp.float32) * dinv


def _phase0_agg(p0_ref, p1_ref, h2_ref, b_ref, dinv, t_v, st_v):
    i = pl.program_id(1)
    t = dinv * (p0_ref[...] + p1_ref[...] + h2_ref[...]) + b_ref[0:1, :]
    t_v[pl.ds(i * R, R), :] = t

    @pl.when(i == 0)
    def _():
        st_v[...] = jnp.zeros_like(st_v)

    st_v[...] += jnp.concatenate(
        [jnp.sum(t, axis=0, keepdims=True),
         jnp.sum(t * t, axis=0, keepdims=True),
         jnp.zeros((6, D), jnp.float32)], axis=0)


def _bn_relu_from_scratch(g_ref, beta_ref, t_v, st_v):
    i = pl.program_id(1)
    st = st_v[...]
    mean = st[0:1, :] * (1.0 / N)
    var = st[1:2, :] * (1.0 / N) - mean * mean
    xn = ((t_v[pl.ds(i * R, R), :] - mean)
          * (g_ref[0:1, :] * lax.rsqrt(var + EPS)) + beta_ref[0:1, :])
    return jnp.maximum(xn, 0.0)


def _mid_body(p0_ref, p1_ref, h2_ref, d0_ref, d1_ref, b_ref, g_ref, beta_ref,
              w_ref, o_ref, t_v, st_v):
    dinv = _dinv_block(d0_ref[...], d1_ref[...])

    @pl.when(pl.program_id(0) == 0)
    def _p0():
        _phase0_agg(p0_ref, p1_ref, h2_ref, b_ref, dinv, t_v, st_v)

    @pl.when(pl.program_id(0) == 1)
    def _p1():
        xn = _bn_relu_from_scratch(g_ref, beta_ref, t_v, st_v)
        o_ref[...] = jnp.dot(xn, w_ref[...],
                             preferred_element_type=jnp.float32) * dinv


def _fin_body(p0_ref, p1_ref, h2_ref, d0_ref, d1_ref, b_ref, g_ref, beta_ref,
              o_ref, t_v, st_v):
    dinv = _dinv_block(d0_ref[...], d1_ref[...])

    @pl.when(pl.program_id(0) == 0)
    def _p0():
        _phase0_agg(p0_ref, p1_ref, h2_ref, b_ref, dinv, t_v, st_v)

    @pl.when(pl.program_id(0) == 1)
    def _p1():
        o_ref[...] = _bn_relu_from_scratch(g_ref, beta_ref, t_v, st_v)


def _row_spec(width):
    return pl.BlockSpec((R, width), lambda i: (i, 0))


def _full_spec(rows, cols):
    return pl.BlockSpec((rows, cols), lambda i: (0, 0))


_mm_scale = pl.pallas_call(
    _mm_scale_body,
    grid=(G,),
    in_specs=[_row_spec(D), _full_spec(D, D), _row_spec(1), _row_spec(1)],
    out_specs=_row_spec(D),
    out_shape=jax.ShapeDtypeStruct((N, D), jnp.float32),
)

def _row2_spec(width):
    return pl.BlockSpec((R, width), lambda p, i: (i * (1 - p), 0))


def _rowb_spec(width):
    return pl.BlockSpec((R, width), lambda p, i: (i, 0))


def _fullb_spec(rows, cols):
    return pl.BlockSpec((rows, cols), lambda p, i: (0, 0))


_scratch_ts = [pltpu.VMEM((N, D), jnp.float32), pltpu.VMEM((8, D), jnp.float32)]

_mid = pl.pallas_call(
    _mid_body,
    grid=(2, G),
    in_specs=[_row2_spec(D), _row2_spec(D), _row2_spec(D), _rowb_spec(1),
              _rowb_spec(1), _fullb_spec(8, D), _fullb_spec(8, D),
              _fullb_spec(8, D), _fullb_spec(D, D)],
    out_specs=_rowb_spec(D),
    out_shape=jax.ShapeDtypeStruct((N, D), jnp.float32),
    scratch_shapes=_scratch_ts,
)

_fin = pl.pallas_call(
    _fin_body,
    grid=(2, G),
    in_specs=[_row2_spec(D), _row2_spec(D), _row2_spec(D), _rowb_spec(1),
              _rowb_spec(1), _fullb_spec(8, D), _fullb_spec(8, D),
              _fullb_spec(8, D)],
    out_specs=_rowb_spec(D),
    out_shape=jax.ShapeDtypeStruct((N, D), jnp.float32),
    scratch_shapes=_scratch_ts,
)


def _pad8(v):
    return jnp.broadcast_to(v, (8, D))


def kernel(x, edge_index, W1, b1, g1, beta1, W2, b2, g2, beta2):
    src = edge_index[0]
    dst = edge_index[1]
    ones1 = jnp.ones((EB,), jnp.float32)
    zeros1 = jnp.zeros((ZT,), jnp.float32)
    zerosD = jnp.zeros((ZT, D), jnp.float32)

    degf = _deg_call()(dst, ones1, zeros1)
    d0 = degf[:N].reshape(N, 1)
    d1 = degf[N:].reshape(N, 1)

    h2 = _mm_scale(x, W1, d0, d1)
    parts = _scat_call()(h2, src, dst, zerosD)
    h2b = _mid(parts[0], parts[1], h2, d0, d1,
               _pad8(b1), _pad8(g1), _pad8(beta1), W2)
    parts2 = _scat_call()(h2b, src, dst, zerosD)
    return _fin(parts2[0], parts2[1], h2b, d0, d1,
                _pad8(b2), _pad8(g2), _pad8(beta2))

# --- scband reference (transcript-rebuilt; emitter-appended) ---
"""Pipeline reference for scband-convolution-layers-12618613915989 (READ-ONLY COPY).

The authoritative reference and input builder live on the scoring server;
editing this copy changes nothing except your own understanding.
"""

import jax, jax.numpy as jnp
import numpy as np

N = 10000
E = 320000
D = 128


def setup_inputs(seed: int = 0) -> dict:
    key = jax.random.key(seed)
    ks = jax.random.split(key, 8)
    x = jax.random.normal(ks[0], (N, D), dtype=jnp.float32)
    edge_index = jax.random.randint(ks[1], (2, E), 0, N, dtype=jnp.int32)
    scale = 1.0 / np.sqrt(D)
    W1 = jax.random.normal(ks[2], (D, D), dtype=jnp.float32) * scale
    b1 = jnp.zeros((D,), dtype=jnp.float32)
    g1 = jnp.ones((D,), dtype=jnp.float32)
    beta1 = jnp.zeros((D,), dtype=jnp.float32)
    W2 = jax.random.normal(ks[3], (D, D), dtype=jnp.float32) * scale
    b2 = jnp.zeros((D,), dtype=jnp.float32)
    g2 = jnp.ones((D,), dtype=jnp.float32)
    beta2 = jnp.zeros((D,), dtype=jnp.float32)
    return {"x": x, "edge_index": edge_index, "W1": W1, "b1": b1, "g1": g1, "beta1": beta1, "W2": W2, "b2": b2, "g2": g2, "beta2": beta2}


def _gcn_layer(x, edge_index, W, b):
    # GCNConv with self-loops and symmetric normalization (PyG semantics)
    src = edge_index[0]
    dst = edge_index[1]
    loop = jnp.arange(N, dtype=edge_index.dtype)
    src = jnp.concatenate([src, loop])
    dst = jnp.concatenate([dst, loop])
    ones = jnp.ones(src.shape[0], dtype=x.dtype)
    deg = jax.ops.segment_sum(ones, dst, num_segments=N)
    dinv = jax.lax.rsqrt(jnp.maximum(deg, 1e-12))
    norm = dinv[src] * dinv[dst]
    h = x @ W
    msg = h[src] * norm[:, None]
    out = jax.ops.segment_sum(msg, dst, num_segments=N)
    return out + b


def _batch_norm(x, g, beta, eps=1e-5):
    mean = jnp.mean(x, axis=0)
    var = jnp.mean((x - mean) ** 2, axis=0)
    return g * (x - mean) * jax.lax.rsqrt(var + eps) + beta


def reference(x, edge_index, W1, b1, g1, beta1, W2, b2, g2, beta2):
    # layer 1: GCNConv -> BatchNorm1d -> relu -> dropout(p=0.0, identity)
    h = _gcn_layer(x, edge_index, W1, b1)
    h = _batch_norm(h, g1, beta1)
    h = jax.nn.relu(h)
    # layer 2
    h = _gcn_layer(h, edge_index, W2, b2)
    h = _batch_norm(h, g2, beta2)
    h = jax.nn.relu(h)
    return h

if __name__ == "__main__":
    import jax
    _d = setup_inputs()
    print(jax.jit(kernel)(*tuple(_d.values())))

</pallas_src>

<mosaic_0001>
#map = affine_map<(d0, d1) -> (0, 0)>
#map1 = affine_map<(d0, d1) -> (0)>
#map2 = affine_map<(d0, d1) -> (0, 0, 0)>
module attributes {stable_mosaic.version = 14 : i64} {
  func.func @_scat_body(%arg0: i32, %arg1: i32, %arg2: memref<10000x128xf32, #tpu.memory_space<hbm>>, %arg3: memref<320000xi32, #tpu.memory_space<hbm>>, %arg4: memref<320000xi32, #tpu.memory_space<hbm>>, %arg5: memref<1000x128xf32, #tpu.memory_space<hbm>>, %arg6: memref<2x10000x128xf32, #tpu.memory_space<hbm>>, %arg7: memref<10000xi32, #tpu.memory_space<vmem>>, %arg8: memref<80xi32, #tpu.memory_space<vmem>>, %arg9: memref<80xi32, #tpu.memory_space<vmem>>, %arg10: memref<80xi32, #tpu.memory_space<vmem>>, %arg11: memref<80x128xf32, #tpu.memory_space<vmem>>, %arg12: memref<80x128xf32, #tpu.memory_space<vmem>>, %arg13: memref<80x128xf32, #tpu.memory_space<vmem>>, %arg14: memref<10000x128xf32, #tpu.memory_space<vmem_shared>>, %arg15: memref<!tpu.dma_semaphore, #tpu.memory_space<semaphore_mem>>, %arg16: memref<!tpu.dma_semaphore, #tpu.memory_space<semaphore_mem>>, %arg17: memref<!tpu.dma_semaphore, #tpu.memory_space<semaphore_mem>>, %arg18: memref<!tpu.dma_semaphore, #tpu.memory_space<semaphore_mem>>, %arg19: memref<!tpu.dma_semaphore, #tpu.memory_space<semaphore_mem>>, %arg20: memref<!tpu.dma_semaphore, #tpu.memory_space<semaphore_mem>>) attributes {dimension_semantics = [#tpu.dimension_semantics<core_parallel>, #tpu.dimension_semantics<subcore_parallel>], iteration_bounds = array<i64: 2, 16>, scalar_prefetch = 0 : i64, scratch_operands = 14 : i64, tpu.core_type = #tpu.core_type<sc_vector_subcore>, window_params = [{transform_indices = #map}, {transform_indices = #map1}, {transform_indices = #map1}, {transform_indices = #map}, {transform_indices = #map2}]} {
    %mul3A = arith.constant 16 : i32
    %mul3A_0 = arith.muli %arg0, %mul3A : i32
    %add3A = arith.addi %mul3A_0, %arg1 : i32
    %mul3A_1 = arith.constant 1000 : i32
    %mul3A_2 = arith.muli %arg1, %mul3A_1 : i32
    %multiple_of3A = tpu.assume_multiple %mul3A_2, 8 : i32
    %lt3A = arith.constant 10 : i32
    %lt3A_3 = arith.cmpi slt, %arg1, %lt3A : i32
    %convert_element_type3A = arith.extui %lt3A_3 : i1 to i32
    %cond3A = arith.constant 0 : i32
    %cond3A_4 = arith.cmpi ne, %convert_element_type3A, %cond3A : i32
    scf.if %cond3A_4 {
      "tpu.region"() ({
        %run_scoped3A = tpu.sem_alloc : memref<!tpu.dma_semaphore, #tpu.memory_space<semaphore_mem>>
        %dma_start3A_47 = arith.constant 0 : i32
        %dma_start3A_48 = tpu.memref_slice %arg14[%multiple_of3A, %dma_start3A_47] : memref<10000x128xf32, #tpu.memory_space<vmem_shared>> -> memref<1000x128xf32, #tpu.memory_space<vmem_shared>>
        tpu.enqueue_dma source(%arg5 : memref<1000x128xf32, #tpu.memory_space<hbm>>) target(%dma_start3A_48 : memref<1000x128xf32, #tpu.memory_space<vmem_shared>>) target_semaphore(%run_scoped3A : memref<!tpu.dma_semaphore, #tpu.memory_space<semaphore_mem>>)
        %dma_wait3A_49 = arith.constant 0 : i32
        %dma_wait3A_50 = tpu.memref_slice %arg14[%multiple_of3A, %dma_wait3A_49] : memref<10000x128xf32, #tpu.memory_space<vmem_shared>> -> memref<1000x128xf32, #tpu.memory_space<vmem_shared>>
        tpu.wait_dma2 semaphore(%run_scoped3A : memref<!tpu.dma_semaphore, #tpu.memory_space<semaphore_mem>>) src(%arg5 : memref<1000x128xf32, #tpu.memory_space<hbm>>) dst(%dma_wait3A_50 : memref<1000x128xf32, #tpu.memory_space<vmem_shared>>)
        tpu.yield
      }) : () -> ()
    } else {
    }
    %mul3A_5 = arith.constant 10000 : i32
    %mul3A_6 = arith.muli %add3A, %mul3A_5 : i32
    %multiple_of3A_7 = tpu.assume_multiple %mul3A_6, 80 : i32
    "tpu.region"() ({
      %run_scoped3A = tpu.sem_alloc : memref<!tpu.dma_semaphore, #tpu.memory_space<semaphore_mem>>
      %dma_start3A_47 = tpu.memref_slice %arg3[%multiple_of3A_7] : memref<320000xi32, #tpu.memory_space<hbm>> -> memref<10000xi32, #tpu.memory_space<hbm>>
      %dma_start3A_48 = tpu.memref_slice %arg3[%multiple_of3A_7] : memref<320000xi32, #tpu.memory_space<hbm>> -> memref<10000xi32, #tpu.memory_space<hbm>>
      tpu.enqueue_dma source(%dma_start3A_48 : memref<10000xi32, #tpu.memory_space<hbm>>) target(%arg7 : memref<10000xi32, #tpu.memory_space<vmem>>) target_semaphore(%run_scoped3A : memref<!tpu.dma_semaphore, #tpu.memory_space<semaphore_mem>>)
      %dma_wait3A_49 = tpu.memref_slice %arg3[%multiple_of3A_7] : memref<320000xi32, #tpu.memory_space<hbm>> -> memref<10000xi32, #tpu.memory_space<hbm>>
      %dma_wait3A_50 = tpu.memref_slice %arg3[%multiple_of3A_7] : memref<320000xi32, #tpu.memory_space<hbm>> -> memref<10000xi32, #tpu.memory_space<hbm>>
      tpu.wait_dma2 semaphore(%run_scoped3A : memref<!tpu.dma_semaphore, #tpu.memory_space<semaphore_mem>>) src(%dma_wait3A_50 : memref<10000xi32, #tpu.memory_space<hbm>>) dst(%arg7 : memref<10000xi32, #tpu.memory_space<vmem>>)
      tpu.yield
    }) : () -> ()
    %barrier3A = arith.constant 0 : index
    tpu.barrier barrier_id(%barrier3A)
    %add3A_8 = arith.constant 0 : i32
    %add3A_9 = arith.addi %multiple_of3A_7, %add3A_8 : i32
    %multiple_of3A_10 = tpu.assume_multiple %add3A_9, 8 : i32
    %dma_start3A = tpu.memref_slice %arg4[%multiple_of3A_10] : memref<320000xi32, #tpu.memory_space<hbm>> -> memref<80xi32, #tpu.memory_space<hbm>>
    %dma_start3A_11 = tpu.memref_slice %arg4[%multiple_of3A_10] : memref<320000xi32, #tpu.memory_space<hbm>> -> memref<80xi32, #tpu.memory_space<hbm>>
    tpu.enqueue_dma source(%dma_start3A_11 : memref<80xi32, #tpu.memory_space<hbm>>) target(%arg8 : memref<80xi32, #tpu.memory_space<vmem>>) target_semaphore(%arg15 : memref<!tpu.dma_semaphore, #tpu.memory_space<semaphore_mem>>)
    %multiple_of3A_12 = arith.constant 0 : i32
    %multiple_of3A_13 = tpu.assume_multiple %multiple_of3A_12, 8 : i32
    %dma_start3A_14 = tpu.memref_slice %arg7[%multiple_of3A_13] : memref<10000xi32, #tpu.memory_space<vmem>> -> memref<80xi32, #tpu.memory_space<vmem>>
    %dma_start3A_15 = arith.constant 0 : i32
    %dma_start3A_16 = arith.constant 0 : i32
    %dma_start3A_17 = tpu.memref_slice %arg2[%dma_start3A_15, %dma_start3A_16] : memref<10000x128xf32, #tpu.memory_space<hbm>> -> memref<10000x128xf32, #tpu.memory_space<hbm>>
    tpu.enqueue_indirect_dma source(%dma_start3A_17 : memref<10000x128xf32, #tpu.memory_space<hbm>>) target(%arg11 : memref<80x128xf32, #tpu.memory_space<vmem>>) offsets(%dma_start3A_14 : memref<80xi32, #tpu.memory_space<vmem>>) semaphore(%arg15 : memref<!tpu.dma_semaphore, #tpu.memory_space<semaphore_mem>>)
    %add3A_18 = arith.constant 80 : i32
    %add3A_19 = arith.addi %multiple_of3A_7, %add3A_18 : i32
    %multiple_of3A_20 = tpu.assume_multiple %add3A_19, 8 : i32
    %dma_start3A_21 = tpu.memref_slice %arg4[%multiple_of3A_20] : memref<320000xi32, #tpu.memory_space<hbm>> -> memref<80xi32, #tpu.memory_space<hbm>>
    %dma_start3A_22 = tpu.memref_slice %arg4[%multiple_of3A_20] : memref<320000xi32, #tpu.memory_space<hbm>> -> memref<80xi32, #tpu.memory_space<hbm>>
    tpu.enqueue_dma source(%dma_start3A_22 : memref<80xi32, #tpu.memory_space<hbm>>) target(%arg9 : memref<80xi32, #tpu.memory_space<vmem>>) target_semaphore(%arg16 : memref<!tpu.dma_semaphore, #tpu.memory_space<semaphore_mem>>)
    %multiple_of3A_23 = arith.constant 80 : i32
    %multiple_of3A_24 = tpu.assume_multiple %multiple_of3A_23, 8 : i32
    %dma_start3A_25 = tpu.memref_slice %arg7[%multiple_of3A_24] : memref<10000xi32, #tpu.memory_space<vmem>> -> memref<80xi32, #tpu.memory_space<vmem>>
    %dma_start3A_26 = arith.constant 0 : i32
    %dma_start3A_27 = arith.constant 0 : i32
    %dma_start3A_28 = tpu.memref_slice %arg2[%dma_start3A_26, %dma_start3A_27] : memref<10000x128xf32, #tpu.memory_space<hbm>> -> memref<10000x128xf32, #tpu.memory_space<hbm>>
    tpu.enqueue_indirect_dma source(%dma_start3A_28 : memref<10000x128xf32, #tpu.memory_space<hbm>>) target(%arg12 : memref<80x128xf32, #tpu.memory_space<vmem>>) offsets(%dma_start3A_25 : memref<80xi32, #tpu.memory_space<vmem>>) semaphore(%arg16 : memref<!tpu.dma_semaphore, #tpu.memory_space<semaphore_mem>>)
    %scan3A = arith.constant 0 : i32
    %scan3A_29 = arith.constant 42 : i32
    %scan3A_30 = arith.addi %scan3A, %scan3A_29 : i32
    %scan3A_31 = arith.constant 1 : i32
    scf.for %scan3A_47 = %scan3A to %scan3A_30 step %scan3A_31  : i32 {
      %mul3A_48 = arith.constant 3 : i32
      %mul3A_49 = arith.muli %scan3A_47, %mul3A_48 : i32
      %add3A_50 = arith.constant 0 : i32
      %add3A_51 = arith.addi %add3A_50, %mul3A_49 : i32
      %add3A_52 = arith.constant 0 : i32
      %add3A_53 = arith.addi %add3A_51, %add3A_52 : i32
      %lt3A_54 = arith.constant 125 : i32
      %lt3A_55 = arith.cmpi slt, %add3A_53, %lt3A_54 : i32
      %convert_element_type3A_56 = arith.extui %lt3A_55 : i1 to i32
      %cond3A_57 = arith.constant 0 : i32
      %cond3A_58 = arith.cmpi ne, %convert_element_type3A_56, %cond3A_57 : i32
      scf.if %cond3A_58 {
        %mul3A_73 = arith.constant 80 : i32
        %mul3A_74 = arith.muli %add3A_53, %mul3A_73 : i32
        %add3A_75 = arith.addi %multiple_of3A_7, %mul3A_74 : i32
        %multiple_of3A_76 = tpu.assume_multiple %add3A_75, 8 : i32
        %dma_wait3A_77 = tpu.memref_slice %arg4[%multiple_of3A_76] : memref<320000xi32, #tpu.memory_space<hbm>> -> memref<80xi32, #tpu.memory_space<hbm>>
        %dma_wait3A_78 = tpu.memref_slice %arg4[%multiple_of3A_76] : memref<320000xi32, #tpu.memory_space<hbm>> -> memref<80xi32, #tpu.memory_space<hbm>>
        tpu.wait_dma2 semaphore(%arg15 : memref<!tpu.dma_semaphore, #tpu.memory_space<semaphore_mem>>) src(%dma_wait3A_78 : memref<80xi32, #tpu.memory_space<hbm>>) dst(%arg8 : memref<80xi32, #tpu.memory_space<vmem>>)
        %mul3A_79 = arith.constant 80 : i32
        %mul3A_80 = arith.muli %add3A_53, %mul3A_79 : i32
        %multiple_of3A_81 = tpu.assume_multiple %mul3A_80, 8 : i32
        %dma_wait3A_82 = tpu.memref_slice %arg7[%multiple_of3A_81] : memref<10000xi32, #tpu.memory_space<vmem>> -> memref<80xi32, #tpu.memory_space<vmem>>
        %dma_wait3A_83 = arith.constant 0 : i32
        %dma_wait3A_84 = arith.constant 0 : i32
        %dma_wait3A_85 = tpu.memref_slice %arg2[%dma_wait3A_83, %dma_wait3A_84] : memref<10000x128xf32, #tpu.memory_space<hbm>> -> memref<10000x128xf32, #tpu.memory_space<hbm>>
        tpu.wait_indirect_dma semaphore(%arg15 : memref<!tpu.dma_semaphore, #tpu.memory_space<semaphore_mem>>) src(%dma_wait3A_85 : memref<10000x128xf32, #tpu.memory_space<hbm>>) dst(%arg11 : memref<80x128xf32, #tpu.memory_space<vmem>>)
        %dma_start3A_86 = arith.constant 0 : i32
        %dma_start3A_87 = arith.constant 0 : i32
        %dma_start3A_88 = tpu.memref_slice %arg14[%dma_start3A_86, %dma_start3A_87] : memref<10000x128xf32, #tpu.memory_space<vmem_shared>> -> memref<10000x128xf32, #tpu.memory_space<vmem_shared>>
        tpu.enqueue_indirect_dma source(%arg11 : memref<80x128xf32, #tpu.memory_space<vmem>>) target(%dma_start3A_88 : memref<10000x128xf32, #tpu.memory_space<vmem_shared>>) offsets(%arg8 : memref<80xi32, #tpu.memory_space<vmem>>) semaphore(%arg18 : memref<!tpu.dma_semaphore, #tpu.memory_space<semaphore_mem>>) {add = true}
        %add3A_89 = arith.constant 2 : i32
        %add3A_90 = arith.addi %add3A_53, %add3A_89 : i32
        %lt3A_91 = arith.constant 125 : i32
        %lt3A_92 = arith.cmpi slt, %add3A_90, %lt3A_91 : i32
        %convert_element_type3A_93 = arith.extui %lt3A_92 : i1 to i32
        %cond3A_94 = arith.constant 0 : i32
        %cond3A_95 = arith.cmpi ne, %convert_element_type3A_93, %cond3A_94 : i32
        scf.if %cond3A_95 {
          %ge3A = arith.constant 1 : i32
          %ge3A_96 = arith.cmpi sge, %add3A_53, %ge3A : i32
          %convert_element_type3A_97 = arith.extui %ge3A_96 : i1 to i32
          %cond3A_98 = arith.constant 0 : i32
          %cond3A_99 = arith.cmpi ne, %convert_element_type3A_97, %cond3A_98 : i32
          scf.if %cond3A_99 {
            %dma_wait3A_115 = arith.constant 0 : i32
            %dma_wait3A_116 = arith.constant 0 : i32
            %dma_wait3A_117 = tpu.memref_slice %arg14[%dma_wait3A_115, %dma_wait3A_116] : memref<10000x128xf32, #tpu.memory_space<vmem_shared>> -> memref<10000x128xf32, #tpu.memory_space<vmem_shared>>
            tpu.wait_indirect_dma semaphore(%arg20 : memref<!tpu.dma_semaphore, #tpu.memory_space<semaphore_mem>>) src(%arg13 : memref<80x128xf32, #tpu.memory_space<vmem>>) dst(%dma_wait3A_117 : memref<10000x128xf32, #tpu.memory_space<vmem_shared>>)
          } else {
          }
          %add3A_100 = arith.constant 2 : i32
          %add3A_101 = arith.addi %add3A_53, %add3A_100 : i32
          %mul3A_102 = arith.constant 80 : i32
          %mul3A_103 = arith.muli %add3A_101, %mul3A_102 : i32
          %add3A_104 = arith.addi %multiple_of3A_7, %mul3A_103 : i32
          %multiple_of3A_105 = tpu.assume_multiple %add3A_104, 8 : i32
          %dma_start3A_106 = tpu.memref_slice %arg4[%multiple_of3A_105] : memref<320000xi32, #tpu.memory_space<hbm>> -> memref<80xi32, #tpu.memory_space<hbm>>
          %dma_start3A_107 = tpu.memref_slice %arg4[%multiple_of3A_105] : memref<320000xi32, #tpu.memory_space<hbm>> -> memref<80xi32, #tpu.memory_space<hbm>>
          tpu.enqueue_dma source(%dma_start3A_107 : memref<80xi32, #tpu.memory_space<hbm>>) target(%arg10 : memref<80xi32, #tpu.memory_space<vmem>>) target_semaphore(%arg17 : memref<!tpu.dma_semaphore, #tpu.memory_space<semaphore_mem>>)
          %mul3A_108 = arith.constant 80 : i32
          %mul3A_109 = arith.muli %add3A_101, %mul3A_108 : i32
          %multiple_of3A_110 = tpu.assume_multiple %mul3A_109, 8 : i32
          %dma_start3A_111 = tpu.memref_slice %arg7[%multiple_of3A_110] : memref<10000xi32, #tpu.memory_space<vmem>> -> memref<80xi32, #tpu.memory_space<vmem>>
          %dma_start3A_112 = arith.constant 0 : i32
          %dma_start3A_113 = arith.constant 0 : i32
          %dma_start3A_114 = tpu.memref_slice %arg2[%dma_start3A_112, %dma_start3A_113] : memref<10000x128xf32, #tpu.memory_space<hbm>> -> memref<10000x128xf32, #tpu.memory_space<hbm>>
          tpu.enqueue_indirect_dma source(%dma_start3A_114 : memref<10000x128xf32, #tpu.memory_space<hbm>>) target(%arg13 : memref<80x128xf32, #tpu.memory_space<vmem>>) offsets(%dma_start3A_111 : memref<80xi32, #tpu.memory_space<vmem>>) semaphore(%arg17 : memref<!tpu.dma_semaphore, #tpu.memory_space<semaphore_mem>>)
        } else {
        }
      } else {
      }
      %add3A_59 = arith.constant 1 : i32
      %add3A_60 = arith.addi %add3A_51, %add3A_59 : i32
      %lt3A_61 = arith.constant 125 : i32
      %lt3A_62 = arith.cmpi slt, %add3A_60, %lt3A_61 : i32
      %convert_element_type3A_63 = arith.extui %lt3A_62 : i1 to i32
      %cond3A_64 = arith.constant 0 : i32
      %cond3A_65 = arith.cmpi ne, %convert_element_type3A_63, %cond3A_64 : i32
      scf.if %cond3A_65 {
        %mul3A_73 = arith.constant 80 : i32
        %mul3A_74 = arith.muli %add3A_60, %mul3A_73 : i32
        %add3A_75 = arith.addi %multiple_of3A_7, %mul3A_74 : i32
        %multiple_of3A_76 = tpu.assume_multiple %add3A_75, 8 : i32
        %dma_wait3A_77 = tpu.memref_slice %arg4[%multiple_of3A_76] : memref<320000xi32, #tpu.memory_space<hbm>> -> memref<80xi32, #tpu.memory_space<hbm>>
        %dma_wait3A_78 = tpu.memref_slice %arg4[%multiple_of3A_76] : memref<320000xi32, #tpu.memory_space<hbm>> -> memref<80xi32, #tpu.memory_space<hbm>>
        tpu.wait_dma2 semaphore(%arg16 : memref<!tpu.dma_semaphore, #tpu.memory_space<semaphore_mem>>) src(%dma_wait3A_78 : memref<80xi32, #tpu.memory_space<hbm>>) dst(%arg9 : memref<80xi32, #tpu.memory_space<vmem>>)
        %mul3A_79 = arith.constant 80 : i32
        %mul3A_80 = arith.muli %add3A_60, %mul3A_79 : i32
        %multiple_of3A_81 = tpu.assume_multiple %mul3A_80, 8 : i32
        %dma_wait3A_82 = tpu.memref_slice %arg7[%multiple_of3A_81] : memref<10000xi32, #tpu.memory_space<vmem>> -> memref<80xi32, #tpu.memory_space<vmem>>
        %dma_wait3A_83 = arith.constant 0 : i32
        %dma_wait3A_84 = arith.constant 0 : i32
        %dma_wait3A_85 = tpu.memref_slice %arg2[%dma_wait3A_83, %dma_wait3A_84] : memref<10000x128xf32, #tpu.memory_space<hbm>> -> memref<10000x128xf32, #tpu.memory_space<hbm>>
        tpu.wait_indirect_dma semaphore(%arg16 : memref<!tpu.dma_semaphore, #tpu.memory_space<semaphore_mem>>) src(%dma_wait3A_85 : memref<10000x128xf32, #tpu.memory_space<hbm>>) dst(%arg12 : memref<80x128xf32, #tpu.memory_space<vmem>>)
        %dma_start3A_86 = arith.constant 0 : i32
        %dma_start3A_87 = arith.constant 0 : i32
        %dma_start3A_88 = tpu.memref_slice %arg14[%dma_start3A_86, %dma_start3A_87] : memref<10000x128xf32, #tpu.memory_space<vmem_shared>> -> memref<10000x128xf32, #tpu.memory_space<vmem_shared>>
        tpu.enqueue_indirect_dma source(%arg12 : memref<80x128xf32, #tpu.memory_space<vmem>>) target(%dma_start3A_88 : memref<10000x128xf32, #tpu.memory_space<vmem_shared>>) offsets(%arg9 : memref<80xi32, #tpu.memory_space<vmem>>) semaphore(%arg19 : memref<!tpu.dma_semaphore, #tpu.memory_space<semaphore_mem>>) {add = true}
        %add3A_89 = arith.constant 2 : i32
        %add3A_90 = arith.addi %add3A_60, %add3A_89 : i32
        %lt3A_91 = arith.constant 125 : i32
        %lt3A_92 = arith.cmpi slt, %add3A_90, %lt3A_91 : i32
        %convert_element_type3A_93 = arith.extui %lt3A_92 : i1 to i32
        %cond3A_94 = arith.constant 0 : i32
        %cond3A_95 = arith.cmpi ne, %convert_element_type3A_93, %cond3A_94 : i32
        scf.if %cond3A_95 {
          %ge3A = arith.constant 1 : i32
          %ge3A_96 = arith.cmpi sge, %add3A_60, %ge3A : i32
          %convert_element_type3A_97 = arith.extui %ge3A_96 : i1 to i32
          %cond3A_98 = arith.constant 0 : i32
          %cond3A_99 = arith.cmpi ne, %convert_element_type3A_97, %cond3A_98 : i32
          scf.if %cond3A_99 {
            %dma_wait3A_115 = arith.constant 0 : i32
            %dma_wait3A_116 = arith.constant 0 : i32
            %dma_wait3A_117 = tpu.memref_slice %arg14[%dma_wait3A_115, %dma_wait3A_116] : memref<10000x128xf32, #tpu.memory_space<vmem_shared>> -> memref<10000x128xf32, #tpu.memory_space<vmem_shared>>
            tpu.wait_indirect_dma semaphore(%arg18 : memref<!tpu.dma_semaphore, #tpu.memory_space<semaphore_mem>>) src(%arg11 : memref<80x128xf32, #tpu.memory_space<vmem>>) dst(%dma_wait3A_117 : memref<10000x128xf32, #tpu.memory_space<vmem_shared>>)
          } else {
          }
          %add3A_100 = arith.constant 2 : i32
          %add3A_101 = arith.addi %add3A_60, %add3A_100 : i32
          %mul3A_102 = arith.constant 80 : i32
          %mul3A_103 = arith.muli %add3A_101, %mul3A_102 : i32
          %add3A_104 = arith.addi %multiple_of3A_7, %mul3A_103 : i32
          %multiple_of3A_105 = tpu.assume_multiple %add3A_104, 8 : i32
          %dma_start3A_106 = tpu.memref_slice %arg4[%multiple_of3A_105] : memref<320000xi32, #tpu.memory_space<hbm>> -> memref<80xi32, #tpu.memory_space<hbm>>
          %dma_start3A_107 = tpu.memref_slice %arg4[%multiple_of3A_105] : memref<320000xi32, #tpu.memory_space<hbm>> -> memref<80xi32, #tpu.memory_space<hbm>>
          tpu.enqueue_dma source(%dma_start3A_107 : memref<80xi32, #tpu.memory_space<hbm>>) target(%arg8 : memref<80xi32, #tpu.memory_space<vmem>>) target_semaphore(%arg15 : memref<!tpu.dma_semaphore, #tpu.memory_space<semaphore_mem>>)
          %mul3A_108 = arith.constant 80 : i32
          %mul3A_109 = arith.muli %add3A_101, %mul3A_108 : i32
          %multiple_of3A_110 = tpu.assume_multiple %mul3A_109, 8 : i32
          %dma_start3A_111 = tpu.memref_slice %arg7[%multiple_of3A_110] : memref<10000xi32, #tpu.memory_space<vmem>> -> memref<80xi32, #tpu.memory_space<vmem>>
          %dma_start3A_112 = arith.constant 0 : i32
          %dma_start3A_113 = arith.constant 0 : i32
          %dma_start3A_114 = tpu.memref_slice %arg2[%dma_start3A_112, %dma_start3A_113] : memref<10000x128xf32, #tpu.memory_space<hbm>> -> memref<10000x128xf32, #tpu.memory_space<hbm>>
          tpu.enqueue_indirect_dma source(%dma_start3A_114 : memref<10000x128xf32, #tpu.memory_space<hbm>>) target(%arg11 : memref<80x128xf32, #tpu.memory_space<vmem>>) offsets(%dma_start3A_111 : memref<80xi32, #tpu.memory_space<vmem>>) semaphore(%arg15 : memref<!tpu.dma_semaphore, #tpu.memory_space<semaphore_mem>>)
        } else {
        }
      } else {
      }
      %add3A_66 = arith.constant 2 : i32
      %add3A_67 = arith.addi %add3A_51, %add3A_66 : i32
      %lt3A_68 = arith.constant 125 : i32
      %lt3A_69 = arith.cmpi slt, %add3A_67, %lt3A_68 : i32
      %convert_element_type3A_70 = arith.extui %lt3A_69 : i1 to i32
      %cond3A_71 = arith.constant 0 : i32
      %cond3A_72 = arith.cmpi ne, %convert_element_type3A_70, %cond3A_71 : i32
      scf.if %cond3A_72 {
        %mul3A_73 = arith.constant 80 : i32
        %mul3A_74 = arith.muli %add3A_67, %mul3A_73 : i32
        %add3A_75 = arith.addi %multiple_of3A_7, %mul3A_74 : i32
        %multiple_of3A_76 = tpu.assume_multiple %add3A_75, 8 : i32
        %dma_wait3A_77 = tpu.memref_slice %arg4[%multiple_of3A_76] : memref<320000xi32, #tpu.memory_space<hbm>> -> memref<80xi32, #tpu.memory_space<hbm>>
        %dma_wait3A_78 = tpu.memref_slice %arg4[%multiple_of3A_76] : memref<320000xi32, #tpu.memory_space<hbm>> -> memref<80xi32, #tpu.memory_space<hbm>>
        tpu.wait_dma2 semaphore(%arg17 : memref<!tpu.dma_semaphore, #tpu.memory_space<semaphore_mem>>) src(%dma_wait3A_78 : memref<80xi32, #tpu.memory_space<hbm>>) dst(%arg10 : memref<80xi32, #tpu.memory_space<vmem>>)
        %mul3A_79 = arith.constant 80 : i32
        %mul3A_80 = arith.muli %add3A_67, %mul3A_79 : i32
        %multiple_of3A_81 = tpu.assume_multiple %mul3A_80, 8 : i32
        %dma_wait3A_82 = tpu.memref_slice %arg7[%multiple_of3A_81] : memref<10000xi32, #tpu.memory_space<vmem>> -> memref<80xi32, #tpu.memory_space<vmem>>
        %dma_wait3A_83 = arith.constant 0 : i32
        %dma_wait3A_84 = arith.constant 0 : i32
        %dma_wait3A_85 = tpu.memref_slice %arg2[%dma_wait3A_83, %dma_wait3A_84] : memref<10000x128xf32, #tpu.memory_space<hbm>> -> memref<10000x128xf32, #tpu.memory_space<hbm>>
        tpu.wait_indirect_dma semaphore(%arg17 : memref<!tpu.dma_semaphore, #tpu.memory_space<semaphore_mem>>) src(%dma_wait3A_85 : memref<10000x128xf32, #tpu.memory_space<hbm>>) dst(%arg13 : memref<80x128xf32, #tpu.memory_space<vmem>>)
        %dma_start3A_86 = arith.constant 0 : i32
        %dma_start3A_87 = arith.constant 0 : i32
        %dma_start3A_88 = tpu.memref_slice %arg14[%dma_start3A_86, %dma_start3A_87] : memref<10000x128xf32, #tpu.memory_space<vmem_shared>> -> memref<10000x128xf32, #tpu.memory_space<vmem_shared>>
        tpu.enqueue_indirect_dma source(%arg13 : memref<80x128xf32, #tpu.memory_space<vmem>>) target(%dma_start3A_88 : memref<10000x128xf32, #tpu.memory_space<vmem_shared>>) offsets(%arg10 : memref<80xi32, #tpu.memory_space<vmem>>) semaphore(%arg20 : memref<!tpu.dma_semaphore, #tpu.memory_space<semaphore_mem>>) {add = true}
        %add3A_89 = arith.constant 2 : i32
        %add3A_90 = arith.addi %add3A_67, %add3A_89 : i32
        %lt3A_91 = arith.constant 125 : i32
        %lt3A_92 = arith.cmpi slt, %add3A_90, %lt3A_91 : i32
        %convert_element_type3A_93 = arith.extui %lt3A_92 : i1 to i32
        %cond3A_94 = arith.constant 0 : i32
        %cond3A_95 = arith.cmpi ne, %convert_element_type3A_93, %cond3A_94 : i32
        scf.if %cond3A_95 {
          %ge3A = arith.constant 1 : i32
          %ge3A_96 = arith.cmpi sge, %add3A_67, %ge3A : i32
          %convert_element_type3A_97 = arith.extui %ge3A_96 : i1 to i32
          %cond3A_98 = arith.constant 0 : i32
          %cond3A_99 = arith.cmpi ne, %convert_element_type3A_97, %cond3A_98 : i32
          scf.if %cond3A_99 {
            %dma_wait3A_115 = arith.constant 0 : i32
            %dma_wait3A_116 = arith.constant 0 : i32
            %dma_wait3A_117 = tpu.memref_slice %arg14[%dma_wait3A_115, %dma_wait3A_116] : memref<10000x128xf32, #tpu.memory_space<vmem_shared>> -> memref<10000x128xf32, #tpu.memory_space<vmem_shared>>
            tpu.wait_indirect_dma semaphore(%arg19 : memref<!tpu.dma_semaphore, #tpu.memory_space<semaphore_mem>>) src(%arg12 : memref<80x128xf32, #tpu.memory_space<vmem>>) dst(%dma_wait3A_117 : memref<10000x128xf32, #tpu.memory_space<vmem_shared>>)
          } else {
          }
          %add3A_100 = arith.constant 2 : i32
          %add3A_101 = arith.addi %add3A_67, %add3A_100 : i32
          %mul3A_102 = arith.constant 80 : i32
          %mul3A_103 = arith.muli %add3A_101, %mul3A_102 : i32
          %add3A_104 = arith.addi %multiple_of3A_7, %mul3A_103 : i32
          %multiple_of3A_105 = tpu.assume_multiple %add3A_104, 8 : i32
          %dma_start3A_106 = tpu.memref_slice %arg4[%multiple_of3A_105] : memref<320000xi32, #tpu.memory_space<hbm>> -> memref<80xi32, #tpu.memory_space<hbm>>
          %dma_start3A_107 = tpu.memref_slice %arg4[%multiple_of3A_105] : memref<320000xi32, #tpu.memory_space<hbm>> -> memref<80xi32, #tpu.memory_space<hbm>>
          tpu.enqueue_dma source(%dma_start3A_107 : memref<80xi32, #tpu.memory_space<hbm>>) target(%arg9 : memref<80xi32, #tpu.memory_space<vmem>>) target_semaphore(%arg16 : memref<!tpu.dma_semaphore, #tpu.memory_space<semaphore_mem>>)
          %mul3A_108 = arith.constant 80 : i32
          %mul3A_109 = arith.muli %add3A_101, %mul3A_108 : i32
          %multiple_of3A_110 = tpu.assume_multiple %mul3A_109, 8 : i32
          %dma_start3A_111 = tpu.memref_slice %arg7[%multiple_of3A_110] : memref<10000xi32, #tpu.memory_space<vmem>> -> memref<80xi32, #tpu.memory_space<vmem>>
          %dma_start3A_112 = arith.constant 0 : i32
          %dma_start3A_113 = arith.constant 0 : i32
          %dma_start3A_114 = tpu.memref_slice %arg2[%dma_start3A_112, %dma_start3A_113] : memref<10000x128xf32, #tpu.memory_space<hbm>> -> memref<10000x128xf32, #tpu.memory_space<hbm>>
          tpu.enqueue_indirect_dma source(%dma_start3A_114 : memref<10000x128xf32, #tpu.memory_space<hbm>>) target(%arg12 : memref<80x128xf32, #tpu.memory_space<vmem>>) offsets(%dma_start3A_111 : memref<80xi32, #tpu.memory_space<vmem>>) semaphore(%arg16 : memref<!tpu.dma_semaphore, #tpu.memory_space<semaphore_mem>>)
        } else {
        }
      } else {
      }
    }
    %scan3A_32 = arith.constant 42 : i32
    %dma_wait3A = arith.constant 0 : i32
    %dma_wait3A_33 = arith.constant 0 : i32
    %dma_wait3A_34 = tpu.memref_slice %arg14[%dma_wait3A, %dma_wait3A_33] : memref<10000x128xf32, #tpu.memory_space<vmem_shared>> -> memref<10000x128xf32, #tpu.memory_space<vmem_shared>>
    tpu.wait_indirect_dma semaphore(%arg20 : memref<!tpu.dma_semaphore, #tpu.memory_space<semaphore_mem>>) src(%arg13 : memref<80x128xf32, #tpu.memory_space<vmem>>) dst(%dma_wait3A_34 : memref<10000x128xf32, #tpu.memory_space<vmem_shared>>)
    %dma_wait3A_35 = arith.constant 0 : i32
    %dma_wait3A_36 = arith.constant 0 : i32
    %dma_wait3A_37 = tpu.memref_slice %arg14[%dma_wait3A_35, %dma_wait3A_36] : memref<10000x128xf32, #tpu.memory_space<vmem_shared>> -> memref<10000x128xf32, #tpu.memory_space<vmem_shared>>
    tpu.wait_indirect_dma semaphore(%arg18 : memref<!tpu.dma_semaphore, #tpu.memory_space<semaphore_mem>>) src(%arg11 : memref<80x128xf32, #tpu.memory_space<vmem>>) dst(%dma_wait3A_37 : memref<10000x128xf32, #tpu.memory_space<vmem_shared>>)
    %dma_wait3A_38 = arith.constant 0 : i32
    %dma_wait3A_39 = arith.constant 0 : i32
    %dma_wait3A_40 = tpu.memref_slice %arg14[%dma_wait3A_38, %dma_wait3A_39] : memref<10000x128xf32, #tpu.memory_space<vmem_shared>> -> memref<10000x128xf32, #tpu.memory_space<vmem_shared>>
    tpu.wait_indirect_dma semaphore(%arg19 : memref<!tpu.dma_semaphore, #tpu.memory_space<semaphore_mem>>) src(%arg12 : memref<80x128xf32, #tpu.memory_space<vmem>>) dst(%dma_wait3A_40 : memref<10000x128xf32, #tpu.memory_space<vmem_shared>>)
    %barrier3A_41 = arith.constant 0 : index
    tpu.barrier barrier_id(%barrier3A_41)
    %lt3A_42 = arith.constant 10 : i32
    %lt3A_43 = arith.cmpi slt, %arg1, %lt3A_42 : i32
    %convert_element_type3A_44 = arith.extui %lt3A_43 : i1 to i32
    %cond3A_45 = arith.constant 0 : i32
    %cond3A_46 = arith.cmpi ne, %convert_element_type3A_44, %cond3A_45 : i32
    scf.if %cond3A_46 {
      "tpu.region"() ({
        %run_scoped3A = tpu.sem_alloc : memref<!tpu.dma_semaphore, #tpu.memory_space<semaphore_mem>>
        %dma_start3A_47 = arith.constant 0 : i32
        %dma_start3A_48 = tpu.memref_slice %arg6[%arg0, %multiple_of3A, %dma_start3A_47] : memref<2x10000x128xf32, #tpu.memory_space<hbm>> -> memref<1x1000x128xf32, #tpu.memory_space<hbm>>
        %dma_start3A_49 = tpu.memref_squeeze %dma_start3A_48 : memref<1x1000x128xf32, #tpu.memory_space<hbm>> -> memref<1000x128xf32, #tpu.memory_space<hbm>>
        %dma_start3A_50 = arith.constant 0 : i32
        %dma_start3A_51 = tpu.memref_slice %arg14[%multiple_of3A, %dma_start3A_50] : memref<10000x128xf32, #tpu.memory_space<vmem_shared>> -> memref<1000x128xf32, #tpu.memory_space<vmem_shared>>
        tpu.enqueue_dma source(%dma_start3A_51 : memref<1000x128xf32, #tpu.memory_space<vmem_shared>>) target(%dma_start3A_49 : memref<1000x128xf32, #tpu.memory_space<hbm>>) target_semaphore(%run_scoped3A : memref<!tpu.dma_semaphore, #tpu.memory_space<semaphore_mem>>)
        %dma_wait3A_52 = arith.constant 0 : i32
        %dma_wait3A_53 = tpu.memref_slice %arg6[%arg0, %multiple_of3A, %dma_wait3A_52] : memref<2x10000x128xf32, #tpu.memory_space<hbm>> -> memref<1x1000x128xf32, #tpu.memory_space<hbm>>
        %dma_wait3A_54 = tpu.memref_squeeze %dma_wait3A_53 : memref<1x1000x128xf32, #tpu.memory_space<hbm>> -> memref<1000x128xf32, #tpu.memory_space<hbm>>
        %dma_wait3A_55 = arith.constant 0 : i32
        %dma_wait3A_56 = tpu.memref_slice %arg14[%multiple_of3A, %dma_wait3A_55] : memref<10000x128xf32, #tpu.memory_space<vmem_shared>> -> memref<1000x128xf32, #tpu.memory_space<vmem_shared>>
        tpu.wait_dma2 semaphore(%run_scoped3A : memref<!tpu.dma_semaphore, #tpu.memory_space<semaphore_mem>>) src(%dma_wait3A_56 : memref<1000x128xf32, #tpu.memory_space<vmem_shared>>) dst(%dma_wait3A_54 : memref<1000x128xf32, #tpu.memory_space<hbm>>)
        tpu.yield
      }) : () -> ()
    } else {
    }
    return
  }
}

#map = affine_map<(d0, d1) -> (0)>
module attributes {stable_mosaic.version = 14 : i64} {
  func.func @_deg_body(%arg0: i32, %arg1: i32, %arg2: memref<320000xi32, #tpu.memory_space<hbm>>, %arg3: memref<80xf32, #tpu.memory_space<hbm>>, %arg4: memref<1000xf32, #tpu.memory_space<hbm>>, %arg5: memref<20000xf32, #tpu.memory_space<hbm>>, %arg6: memref<80xf32, #tpu.memory_space<vmem>>, %arg7: memref<10000xi32, #tpu.memory_space<vmem>>, %arg8: memref<80xi32, #tpu.memory_space<vmem>>, %arg9: memref<1000xf32, #tpu.memory_space<vmem>>, %arg10: memref<10000xf32, #tpu.memory_space<vmem_shared>>) attributes {dimension_semantics = [#tpu.dimension_semantics<core_parallel>, #tpu.dimension_semantics<subcore_parallel>], iteration_bounds = array<i64: 2, 16>, scalar_prefetch = 0 : i64, scratch_operands = 5 : i64, tpu.core_type = #tpu.core_type<sc_vector_subcore>, window_params = [{transform_indices = #map}, {transform_indices = #map}, {transform_indices = #map}, {transform_indices = #map}]} {
    %mul3A = arith.constant 16 : i32
    %mul3A_0 = arith.muli %arg0, %mul3A : i32
    %add3A = arith.addi %mul3A_0, %arg1 : i32
    %mul3A_1 = arith.constant 1000 : i32
    %mul3A_2 = arith.muli %arg1, %mul3A_1 : i32
    %multiple_of3A = tpu.assume_multiple %mul3A_2, 8 : i32
    %lt3A = arith.constant 10 : i32
    %lt3A_3 = arith.cmpi slt, %arg1, %lt3A : i32
    %convert_element_type3A = arith.extui %lt3A_3 : i1 to i32
    %cond3A = arith.constant 0 : i32
    %cond3A_4 = arith.cmpi ne, %convert_element_type3A, %cond3A : i32
    scf.if %cond3A_4 {
      "tpu.region"() ({
        %run_scoped3A = tpu.sem_alloc : memref<!tpu.dma_semaphore, #tpu.memory_space<semaphore_mem>>
        tpu.enqueue_dma source(%arg4 : memref<1000xf32, #tpu.memory_space<hbm>>) target(%arg9 : memref<1000xf32, #tpu.memory_space<vmem>>) target_semaphore(%run_scoped3A : memref<!tpu.dma_semaphore, #tpu.memory_space<semaphore_mem>>)
        tpu.wait_dma2 semaphore(%run_scoped3A : memref<!tpu.dma_semaphore, #tpu.memory_space<semaphore_mem>>) src(%arg4 : memref<1000xf32, #tpu.memory_space<hbm>>) dst(%arg9 : memref<1000xf32, #tpu.memory_space<vmem>>)
        tpu.yield
      }) : () -> ()
      "tpu.region"() ({
        %run_scoped3A = tpu.sem_alloc : memref<!tpu.dma_semaphore, #tpu.memory_space<semaphore_mem>>
        %dma_start3A = tpu.memref_slice %arg10[%multiple_of3A] : memref<10000xf32, #tpu.memory_space<vmem_shared>> -> memref<1000xf32, #tpu.memory_space<vmem_shared>>
        %dma_start3A_18 = tpu.memref_slice %arg10[%multiple_of3A] : memref<10000xf32, #tpu.memory_space<vmem_shared>> -> memref<1000xf32, #tpu.memory_space<vmem_shared>>
        tpu.enqueue_dma source(%arg9 : memref<1000xf32, #tpu.memory_space<vmem>>) target(%dma_start3A_18 : memref<1000xf32, #tpu.memory_space<vmem_shared>>) target_semaphore(%run_scoped3A : memref<!tpu.dma_semaphore, #tpu.memory_space<semaphore_mem>>)
        %dma_wait3A = tpu.memref_slice %arg10[%multiple_of3A] : memref<10000xf32, #tpu.memory_space<vmem_shared>> -> memref<1000xf32, #tpu.memory_space<vmem_shared>>
        %dma_wait3A_19 = tpu.memref_slice %arg10[%multiple_of3A] : memref<10000xf32, #tpu.memory_space<vmem_shared>> -> memref<1000xf32, #tpu.memory_space<vmem_shared>>
        tpu.wait_dma2 semaphore(%run_scoped3A : memref<!tpu.dma_semaphore, #tpu.memory_space<semaphore_mem>>) src(%arg9 : memref<1000xf32, #tpu.memory_space<vmem>>) dst(%dma_wait3A_19 : memref<1000xf32, #tpu.memory_space<vmem_shared>>)
        tpu.yield
      }) : () -> ()
    } else {
    }
    "tpu.region"() ({
      %run_scoped3A = tpu.sem_alloc : memref<!tpu.dma_semaphore, #tpu.memory_space<semaphore_mem>>
      tpu.enqueue_dma source(%arg3 : memref<80xf32, #tpu.memory_space<hbm>>) target(%arg6 : memref<80xf32, #tpu.memory_space<vmem>>) target_semaphore(%run_scoped3A : memref<!tpu.dma_semaphore, #tpu.memory_space<semaphore_mem>>)
      tpu.wait_dma2 semaphore(%run_scoped3A : memref<!tpu.dma_semaphore, #tpu.memory_space<semaphore_mem>>) src(%arg3 : memref<80xf32, #tpu.memory_space<hbm>>) dst(%arg6 : memref<80xf32, #tpu.memory_space<vmem>>)
      tpu.yield
    }) : () -> ()
    %mul3A_5 = arith.constant 10000 : i32
    %mul3A_6 = arith.muli %add3A, %mul3A_5 : i32
    %multiple_of3A_7 = tpu.assume_multiple %mul3A_6, 80 : i32
    "tpu.region"() ({
      %run_scoped3A = tpu.sem_alloc : memref<!tpu.dma_semaphore, #tpu.memory_space<semaphore_mem>>
      %dma_start3A = tpu.memref_slice %arg2[%multiple_of3A_7] : memref<320000xi32, #tpu.memory_space<hbm>> -> memref<10000xi32, #tpu.memory_space<hbm>>
      %dma_start3A_18 = tpu.memref_slice %arg2[%multiple_of3A_7] : memref<320000xi32, #tpu.memory_space<hbm>> -> memref<10000xi32, #tpu.memory_space<hbm>>
      tpu.enqueue_dma source(%dma_start3A_18 : memref<10000xi32, #tpu.memory_space<hbm>>) target(%arg7 : memref<10000xi32, #tpu.memory_space<vmem>>) target_semaphore(%run_scoped3A : memref<!tpu.dma_semaphore, #tpu.memory_space<semaphore_mem>>)
      %dma_wait3A = tpu.memref_slice %arg2[%multiple_of3A_7] : memref<320000xi32, #tpu.memory_space<hbm>> -> memref<10000xi32, #tpu.memory_space<hbm>>
      %dma_wait3A_19 = tpu.memref_slice %arg2[%multiple_of3A_7] : memref<320000xi32, #tpu.memory_space<hbm>> -> memref<10000xi32, #tpu.memory_space<hbm>>
      tpu.wait_dma2 semaphore(%run_scoped3A : memref<!tpu.dma_semaphore, #tpu.memory_space<semaphore_mem>>) src(%dma_wait3A_19 : memref<10000xi32, #tpu.memory_space<hbm>>) dst(%arg7 : memref<10000xi32, #tpu.memory_space<vmem>>)
      tpu.yield
    }) : () -> ()
    %barrier3A = arith.constant 0 : index
    tpu.barrier barrier_id(%barrier3A)
    %scan3A = arith.constant 0 : i32
    %scan3A_8 = arith.constant 125 : i32
    %scan3A_9 = arith.addi %scan3A, %scan3A_8 : i32
    %scan3A_10 = arith.constant 1 : i32
    scf.for %scan3A_18 = %scan3A to %scan3A_9 step %scan3A_10  : i32 {
      %mul3A_19 = arith.constant 1 : i32
      %mul3A_20 = arith.muli %scan3A_18, %mul3A_19 : i32
      %add3A_21 = arith.constant 0 : i32
      %add3A_22 = arith.addi %add3A_21, %mul3A_20 : i32
      %mul3A_23 = arith.constant 80 : i32
      %mul3A_24 = arith.muli %add3A_22, %mul3A_23 : i32
      %add3A_25 = arith.constant 0 : i32
      %add3A_26 = arith.addi %mul3A_24, %add3A_25 : i32
      %get3A = arith.index_cast %add3A_26 : i32 to index
      %get3A_27 = tpu.vector_load %arg7[%get3A] {strides = array<i32>} : memref<10000xi32, #tpu.memory_space<vmem>>, vector<16xi32>,
      %get3A_28 = vector.shape_cast %get3A_27 : vector<16xi32> to vector<16xi32>
      %swap3A = arith.constant 0 : index
      %swap3A_29 = tpu.vector_load %arg8[%swap3A] {strides = array<i32>} : memref<80xi32, #tpu.memory_space<vmem>>, vector<16xi32>,
      %swap3A_30 = vector.shape_cast %swap3A_29 : vector<16xi32> to vector<16xi32>
      %swap3A_31 = vector.shape_cast %get3A_28 : vector<16xi32> to vector<16xi32>
      tpu.vector_store %arg8[%swap3A], %swap3A_31 {strides = array<i32>} : memref<80xi32, #tpu.memory_space<vmem>>, vector<16xi32>,
      %mul3A_32 = arith.constant 80 : i32
      %mul3A_33 = arith.muli %add3A_22, %mul3A_32 : i32
      %add3A_34 = arith.constant 16 : i32
      %add3A_35 = arith.addi %mul3A_33, %add3A_34 : i32
      %get3A_36 = arith.index_cast %add3A_35 : i32 to index
      %get3A_37 = tpu.vector_load %arg7[%get3A_36] {strides = array<i32>} : memref<10000xi32, #tpu.memory_space<vmem>>, vector<16xi32>,
      %get3A_38 = vector.shape_cast %get3A_37 : vector<16xi32> to vector<16xi32>
      %swap3A_39 = arith.constant 16 : index
      %swap3A_40 = tpu.vector_load %arg8[%swap3A_39] {strides = array<i32>} : memref<80xi32, #tpu.memory_space<vmem>>, vector<16xi32>,
      %swap3A_41 = vector.shape_cast %swap3A_40 : vector<16xi32> to vector<16xi32>
      %swap3A_42 = vector.shape_cast %get3A_38 : vector<16xi32> to vector<16xi32>
      tpu.vector_store %arg8[%swap3A_39], %swap3A_42 {strides = array<i32>} : memref<80xi32, #tpu.memory_space<vmem>>, vector<16xi32>,
      %mul3A_43 = arith.constant 80 : i32
      %mul3A_44 = arith.muli %add3A_22, %mul3A_43 : i32
      %add3A_45 = arith.constant 32 : i32
      %add3A_46 = arith.addi %mul3A_44, %add3A_45 : i32
      %get3A_47 = arith.index_cast %add3A_46 : i32 to index
      %get3A_48 = tpu.vector_load %arg7[%get3A_47] {strides = array<i32>} : memref<10000xi32, #tpu.memory_space<vmem>>, vector<16xi32>,
      %get3A_49 = vector.shape_cast %get3A_48 : vector<16xi32> to vector<16xi32>
      %swap3A_50 = arith.constant 32 : index
      %swap3A_51 = tpu.vector_load %arg8[%swap3A_50] {strides = array<i32>} : memref<80xi32, #tpu.memory_space<vmem>>, vector<16xi32>,
      %swap3A_52 = vector.shape_cast %swap3A_51 : vector<16xi32> to vector<16xi32>
      %swap3A_53 = vector.shape_cast %get3A_49 : vector<16xi32> to vector<16xi32>
      tpu.vector_store %arg8[%swap3A_50], %swap3A_53 {strides = array<i32>} : memref<80xi32, #tpu.memory_space<vmem>>, vector<16xi32>,
      %mul3A_54 = arith.constant 80 : i32
      %mul3A_55 = arith.muli %add3A_22, %mul3A_54 : i32
      %add3A_56 = arith.constant 48 : i32
      %add3A_57 = arith.addi %mul3A_55, %add3A_56 : i32
      %get3A_58 = arith.index_cast %add3A_57 : i32 to index
      %get3A_59 = tpu.vector_load %arg7[%get3A_58] {strides = array<i32>} : memref<10000xi32, #tpu.memory_space<vmem>>, vector<16xi32>,
      %get3A_60 = vector.shape_cast %get3A_59 : vector<16xi32> to vector<16xi32>
      %swap3A_61 = arith.constant 48 : index
      %swap3A_62 = tpu.vector_load %arg8[%swap3A_61] {strides = array<i32>} : memref<80xi32, #tpu.memory_space<vmem>>, vector<16xi32>,
      %swap3A_63 = vector.shape_cast %swap3A_62 : vector<16xi32> to vector<16xi32>
      %swap3A_64 = vector.shape_cast %get3A_60 : vector<16xi32> to vector<16xi32>
      tpu.vector_store %arg8[%swap3A_61], %swap3A_64 {strides = array<i32>} : memref<80xi32, #tpu.memory_space<vmem>>, vector<16xi32>,
      %mul3A_65 = arith.constant 80 : i32
      %mul3A_66 = arith.muli %add3A_22, %mul3A_65 : i32
      %add3A_67 = arith.constant 64 : i32
      %add3A_68 = arith.addi %mul3A_66, %add3A_67 : i32
      %get3A_69 = arith.index_cast %add3A_68 : i32 to index
      %get3A_70 = tpu.vector_load %arg7[%get3A_69] {strides = array<i32>} : memref<10000xi32, #tpu.memory_space<vmem>>, vector<16xi32>,
      %get3A_71 = vector.shape_cast %get3A_70 : vector<16xi32> to vector<16xi32>
      %swap3A_72 = arith.constant 64 : index
      %swap3A_73 = tpu.vector_load %arg8[%swap3A_72] {strides = array<i32>} : memref<80xi32, #tpu.memory_space<vmem>>, vector<16xi32>,
      %swap3A_74 = vector.shape_cast %swap3A_73 : vector<16xi32> to vector<16xi32>
      %swap3A_75 = vector.shape_cast %get3A_71 : vector<16xi32> to vector<16xi32>
      tpu.vector_store %arg8[%swap3A_72], %swap3A_75 {strides = array<i32>} : memref<80xi32, #tpu.memory_space<vmem>>, vector<16xi32>,
      "tpu.region"() ({
        %run_scoped3A = tpu.sem_alloc : memref<!tpu.dma_semaphore, #tpu.memory_space<semaphore_mem>>
        %dma_start3A = arith.constant 0 : i32
        %dma_start3A_76 = tpu.memref_slice %arg10[%dma_start3A] : memref<10000xf32, #tpu.memory_space<vmem_shared>> -> memref<10000xf32, #tpu.memory_space<vmem_shared>>
        tpu.enqueue_indirect_dma source(%arg6 : memref<80xf32, #tpu.memory_space<vmem>>) target(%dma_start3A_76 : memref<10000xf32, #tpu.memory_space<vmem_shared>>) offsets(%arg8 : memref<80xi32, #tpu.memory_space<vmem>>) semaphore(%run_scoped3A : memref<!tpu.dma_semaphore, #tpu.memory_space<semaphore_mem>>) {add = true}
        %dma_wait3A = arith.constant 0 : i32
        %dma_wait3A_77 = tpu.memref_slice %arg10[%dma_wait3A] : memref<10000xf32, #tpu.memory_space<vmem_shared>> -> memref<10000xf32, #tpu.memory_space<vmem_shared>>
        tpu.wait_indirect_dma semaphore(%run_scoped3A : memref<!tpu.dma_semaphore, #tpu.memory_space<semaphore_mem>>) src(%arg6 : memref<80xf32, #tpu.memory_space<vmem>>) dst(%dma_wait3A_77 : memref<10000xf32, #tpu.memory_space<vmem_shared>>)
        tpu.yield
      }) : () -> ()
    }
    %scan3A_11 = arith.constant 125 : i32
    %barrier3A_12 = arith.constant 0 : index
    tpu.barrier barrier_id(%barrier3A_12)
    %lt3A_13 = arith.constant 10 : i32
    %lt3A_14 = arith.cmpi slt, %arg1, %lt3A_13 : i32
    %convert_element_type3A_15 = arith.extui %lt3A_14 : i1 to i32
    %cond3A_16 = arith.constant 0 : i32
    %cond3A_17 = arith.cmpi ne, %convert_element_type3A_15, %cond3A_16 : i32
    scf.if %cond3A_17 {
      "tpu.region"() ({
        %run_scoped3A = tpu.sem_alloc : memref<!tpu.dma_semaphore, #tpu.memory_space<semaphore_mem>>
        %dma_start3A = tpu.memref_slice %arg10[%multiple_of3A] : memref<10000xf32, #tpu.memory_space<vmem_shared>> -> memref<1000xf32, #tpu.memory_space<vmem_shared>>
        %dma_start3A_22 = tpu.memref_slice %arg10[%multiple_of3A] : memref<10000xf32, #tpu.memory_space<vmem_shared>> -> memref<1000xf32, #tpu.memory_space<vmem_shared>>
        tpu.enqueue_dma source(%dma_start3A_22 : memref<1000xf32, #tpu.memory_space<vmem_shared>>) target(%arg9 : memref<1000xf32, #tpu.memory_space<vmem>>) target_semaphore(%run_scoped3A : memref<!tpu.dma_semaphore, #tpu.memory_space<semaphore_mem>>)
        %dma_wait3A = tpu.memref_slice %arg10[%multiple_of3A] : memref<10000xf32, #tpu.memory_space<vmem_shared>> -> memref<1000xf32, #tpu.memory_space<vmem_shared>>
        %dma_wait3A_23 = tpu.memref_slice %arg10[%multiple_of3A] : memref<10000xf32, #tpu.memory_space<vmem_shared>> -> memref<1000xf32, #tpu.memory_space<vmem_shared>>
        tpu.wait_dma2 semaphore(%run_scoped3A : memref<!tpu.dma_semaphore, #tpu.memory_space<semaphore_mem>>) src(%dma_wait3A_23 : memref<1000xf32, #tpu.memory_space<vmem_shared>>) dst(%arg9 : memref<1000xf32, #tpu.memory_space<vmem>>)
        tpu.yield
      }) : () -> ()
      %mul3A_18 = arith.constant 10000 : i32
      %mul3A_19 = arith.muli %arg0, %mul3A_18 : i32
      %multiple_of3A_20 = tpu.assume_multiple %mul3A_19, 8 : i32
      %add3A_21 = arith.addi %multiple_of3A_20, %multiple_of3A : i32
      "tpu.region"() ({
        %run_scoped3A = tpu.sem_alloc : memref<!tpu.dma_semaphore, #tpu.memory_space<semaphore_mem>>
        %dma_start3A = tpu.memref_slice %arg5[%add3A_21] : memref<20000xf32, #tpu.memory_space<hbm>> -> memref<1000xf32, #tpu.memory_space<hbm>>
        %dma_start3A_22 = tpu.memref_slice %arg5[%add3A_21] : memref<20000xf32, #tpu.memory_space<hbm>> -> memref<1000xf32, #tpu.memory_space<hbm>>
        tpu.enqueue_dma source(%arg9 : memref<1000xf32, #tpu.memory_space<vmem>>) target(%dma_start3A_22 : memref<1000xf32, #tpu.memory_space<hbm>>) target_semaphore(%run_scoped3A : memref<!tpu.dma_semaphore, #tpu.memory_space<semaphore_mem>>)
        %dma_wait3A = tpu.memref_slice %arg5[%add3A_21] : memref<20000xf32, #tpu.memory_space<hbm>> -> memref<1000xf32, #tpu.memory_space<hbm>>
        %dma_wait3A_23 = tpu.memref_slice %arg5[%add3A_21] : memref<20000xf32, #tpu.memory_space<hbm>> -> memref<1000xf32, #tpu.memory_space<hbm>>
        tpu.wait_dma2 semaphore(%run_scoped3A : memref<!tpu.dma_semaphore, #tpu.memory_space<semaphore_mem>>) src(%arg9 : memref<1000xf32, #tpu.memory_space<vmem>>) dst(%dma_wait3A_23 : memref<1000xf32, #tpu.memory_space<hbm>>)
        tpu.yield
      }) : () -> ()
    } else {
    }
    return
  }
}

#map = affine_map<(d0, d1) -> (0, 0)>
#map1 = affine_map<(d0, d1) -> (0)>
#map2 = affine_map<(d0, d1) -> (0, 0, 0)>
module attributes {stable_mosaic.version = 14 : i64} {
  func.func @_scat_body(%arg0: i32, %arg1: i32, %arg2: memref<10000x128xf32, #tpu.memory_space<hbm>>, %arg3: memref<320000xi32, #tpu.memory_space<hbm>>, %arg4: memref<320000xi32, #tpu.memory_space<hbm>>, %arg5: memref<1000x128xf32, #tpu.memory_space<hbm>>, %arg6: memref<2x10000x128xf32, #tpu.memory_space<hbm>>, %arg7: memref<10000xi32, #tpu.memory_space<vmem>>, %arg8: memref<80xi32, #tpu.memory_space<vmem>>, %arg9: memref<80xi32, #tpu.memory_space<vmem>>, %arg10: memref<80xi32, #tpu.memory_space<vmem>>, %arg11: memref<80x128xf32, #tpu.memory_space<vmem>>, %arg12: memref<80x128xf32, #tpu.memory_space<vmem>>, %arg13: memref<80x128xf32, #tpu.memory_space<vmem>>, %arg14: memref<10000x128xf32, #tpu.memory_space<vmem_shared>>, %arg15: memref<!tpu.dma_semaphore, #tpu.memory_space<semaphore_mem>>, %arg16: memref<!tpu.dma_semaphore, #tpu.memory_space<semaphore_mem>>, %arg17: memref<!tpu.dma_semaphore, #tpu.memory_space<semaphore_mem>>, %arg18: memref<!tpu.dma_semaphore, #tpu.memory_space<semaphore_mem>>, %arg19: memref<!tpu.dma_semaphore, #tpu.memory_space<semaphore_mem>>, %arg20: memref<!tpu.dma_semaphore, #tpu.memory_space<semaphore_mem>>) attributes {dimension_semantics = [#tpu.dimension_semantics<core_parallel>, #tpu.dimension_semantics<subcore_parallel>], iteration_bounds = array<i64: 2, 16>, scalar_prefetch = 0 : i64, scratch_operands = 14 : i64, tpu.core_type = #tpu.core_type<sc_vector_subcore>, window_params = [{transform_indices = #map}, {transform_indices = #map1}, {transform_indices = #map1}, {transform_indices = #map}, {transform_indices = #map2}]} {
    %mul3A = arith.constant 16 : i32
    %mul3A_0 = arith.muli %arg0, %mul3A : i32
    %add3A = arith.addi %mul3A_0, %arg1 : i32
    %mul3A_1 = arith.constant 1000 : i32
    %mul3A_2 = arith.muli %arg1, %mul3A_1 : i32
    %multiple_of3A = tpu.assume_multiple %mul3A_2, 8 : i32
    %lt3A = arith.constant 10 : i32
    %lt3A_3 = arith.cmpi slt, %arg1, %lt3A : i32
    %convert_element_type3A = arith.extui %lt3A_3 : i1 to i32
    %cond3A = arith.constant 0 : i32
    %cond3A_4 = arith.cmpi ne, %convert_element_type3A, %cond3A : i32
    scf.if %cond3A_4 {
      "tpu.region"() ({
        %run_scoped3A = tpu.sem_alloc : memref<!tpu.dma_semaphore, #tpu.memory_space<semaphore_mem>>
        %dma_start3A_47 = arith.constant 0 : i32
        %dma_start3A_48 = tpu.memref_slice %arg14[%multiple_of3A, %dma_start3A_47] : memref<10000x128xf32, #tpu.memory_space<vmem_shared>> -> memref<1000x128xf32, #tpu.memory_space<vmem_shared>>
        tpu.enqueue_dma source(%arg5 : memref<1000x128xf32, #tpu.memory_space<hbm>>) target(%dma_start3A_48 : memref<1000x128xf32, #tpu.memory_space<vmem_shared>>) target_semaphore(%run_scoped3A : memref<!tpu.dma_semaphore, #tpu.memory_space<semaphore_mem>>)
        %dma_wait3A_49 = arith.constant 0 : i32
        %dma_wait3A_50 = tpu.memref_slice %arg14[%multiple_of3A, %dma_wait3A_49] : memref<10000x128xf32, #tpu.memory_space<vmem_shared>> -> memref<1000x128xf32, #tpu.memory_space<vmem_shared>>
        tpu.wait_dma2 semaphore(%run_scoped3A : memref<!tpu.dma_semaphore, #tpu.memory_space<semaphore_mem>>) src(%arg5 : memref<1000x128xf32, #tpu.memory_space<hbm>>) dst(%dma_wait3A_50 : memref<1000x128xf32, #tpu.memory_space<vmem_shared>>)
        tpu.yield
      }) : () -> ()
    } else {
    }
    %mul3A_5 = arith.constant 10000 : i32
    %mul3A_6 = arith.muli %add3A, %mul3A_5 : i32
    %multiple_of3A_7 = tpu.assume_multiple %mul3A_6, 80 : i32
    "tpu.region"() ({
      %run_scoped3A = tpu.sem_alloc : memref<!tpu.dma_semaphore, #tpu.memory_space<semaphore_mem>>
      %dma_start3A_47 = tpu.memref_slice %arg3[%multiple_of3A_7] : memref<320000xi32, #tpu.memory_space<hbm>> -> memref<10000xi32, #tpu.memory_space<hbm>>
      %dma_start3A_48 = tpu.memref_slice %arg3[%multiple_of3A_7] : memref<320000xi32, #tpu.memory_space<hbm>> -> memref<10000xi32, #tpu.memory_space<hbm>>
      tpu.enqueue_dma source(%dma_start3A_48 : memref<10000xi32, #tpu.memory_space<hbm>>) target(%arg7 : memref<10000xi32, #tpu.memory_space<vmem>>) target_semaphore(%run_scoped3A : memref<!tpu.dma_semaphore, #tpu.memory_space<semaphore_mem>>)
      %dma_wait3A_49 = tpu.memref_slice %arg3[%multiple_of3A_7] : memref<320000xi32, #tpu.memory_space<hbm>> -> memref<10000xi32, #tpu.memory_space<hbm>>
      %dma_wait3A_50 = tpu.memref_slice %arg3[%multiple_of3A_7] : memref<320000xi32, #tpu.memory_space<hbm>> -> memref<10000xi32, #tpu.memory_space<hbm>>
      tpu.wait_dma2 semaphore(%run_scoped3A : memref<!tpu.dma_semaphore, #tpu.memory_space<semaphore_mem>>) src(%dma_wait3A_50 : memref<10000xi32, #tpu.memory_space<hbm>>) dst(%arg7 : memref<10000xi32, #tpu.memory_space<vmem>>)
      tpu.yield
    }) : () -> ()
    %barrier3A = arith.constant 0 : index
    tpu.barrier barrier_id(%barrier3A)
    %add3A_8 = arith.constant 0 : i32
    %add3A_9 = arith.addi %multiple_of3A_7, %add3A_8 : i32
    %multiple_of3A_10 = tpu.assume_multiple %add3A_9, 8 : i32
    %dma_start3A = tpu.memref_slice %arg4[%multiple_of3A_10] : memref<320000xi32, #tpu.memory_space<hbm>> -> memref<80xi32, #tpu.memory_space<hbm>>
    %dma_start3A_11 = tpu.memref_slice %arg4[%multiple_of3A_10] : memref<320000xi32, #tpu.memory_space<hbm>> -> memref<80xi32, #tpu.memory_space<hbm>>
    tpu.enqueue_dma source(%dma_start3A_11 : memref<80xi32, #tpu.memory_space<hbm>>) target(%arg8 : memref<80xi32, #tpu.memory_space<vmem>>) target_semaphore(%arg15 : memref<!tpu.dma_semaphore, #tpu.memory_space<semaphore_mem>>)
    %multiple_of3A_12 = arith.constant 0 : i32
    %multiple_of3A_13 = tpu.assume_multiple %multiple_of3A_12, 8 : i32
    %dma_start3A_14 = tpu.memref_slice %arg7[%multiple_of3A_13] : memref<10000xi32, #tpu.memory_space<vmem>> -> memref<80xi32, #tpu.memory_space<vmem>>
    %dma_start3A_15 = arith.constant 0 : i32
    %dma_start3A_16 = arith.constant 0 : i32
    %dma_start3A_17 = tpu.memref_slice %arg2[%dma_start3A_15, %dma_start3A_16] : memref<10000x128xf32, #tpu.memory_space<hbm>> -> memref<10000x128xf32, #tpu.memory_space<hbm>>
    tpu.enqueue_indirect_dma source(%dma_start3A_17 : memref<10000x128xf32, #tpu.memory_space<hbm>>) target(%arg11 : memref<80x128xf32, #tpu.memory_space<vmem>>) offsets(%dma_start3A_14 : memref<80xi32, #tpu.memory_space<vmem>>) semaphore(%arg15 : memref<!tpu.dma_semaphore, #tpu.memory_space<semaphore_mem>>)
    %add3A_18 = arith.constant 80 : i32
    %add3A_19 = arith.addi %multiple_of3A_7, %add3A_18 : i32
    %multiple_of3A_20 = tpu.assume_multiple %add3A_19, 8 : i32
    %dma_start3A_21 = tpu.memref_slice %arg4[%multiple_of3A_20] : memref<320000xi32, #tpu.memory_space<hbm>> -> memref<80xi32, #tpu.memory_space<hbm>>
    %dma_start3A_22 = tpu.memref_slice %arg4[%multiple_of3A_20] : memref<320000xi32, #tpu.memory_space<hbm>> -> memref<80xi32, #tpu.memory_space<hbm>>
    tpu.enqueue_dma source(%dma_start3A_22 : memref<80xi32, #tpu.memory_space<hbm>>) target(%arg9 : memref<80xi32, #tpu.memory_space<vmem>>) target_semaphore(%arg16 : memref<!tpu.dma_semaphore, #tpu.memory_space<semaphore_mem>>)
    %multiple_of3A_23 = arith.constant 80 : i32
    %multiple_of3A_24 = tpu.assume_multiple %multiple_of3A_23, 8 : i32
    %dma_start3A_25 = tpu.memref_slice %arg7[%multiple_of3A_24] : memref<10000xi32, #tpu.memory_space<vmem>> -> memref<80xi32, #tpu.memory_space<vmem>>
    %dma_start3A_26 = arith.constant 0 : i32
    %dma_start3A_27 = arith.constant 0 : i32
    %dma_start3A_28 = tpu.memref_slice %arg2[%dma_start3A_26, %dma_start3A_27] : memref<10000x128xf32, #tpu.memory_space<hbm>> -> memref<10000x128xf32, #tpu.memory_space<hbm>>
    tpu.enqueue_indirect_dma source(%dma_start3A_28 : memref<10000x128xf32, #tpu.memory_space<hbm>>) target(%arg12 : memref<80x128xf32, #tpu.memory_space<vmem>>) offsets(%dma_start3A_25 : memref<80xi32, #tpu.memory_space<vmem>>) semaphore(%arg16 : memref<!tpu.dma_semaphore, #tpu.memory_space<semaphore_mem>>)
    %scan3A = arith.constant 0 : i32
    %scan3A_29 = arith.constant 42 : i32
    %scan3A_30 = arith.addi %scan3A, %scan3A_29 : i32
    %scan3A_31 = arith.constant 1 : i32
    scf.for %scan3A_47 = %scan3A to %scan3A_30 step %scan3A_31  : i32 {
      %mul3A_48 = arith.constant 3 : i32
      %mul3A_49 = arith.muli %scan3A_47, %mul3A_48 : i32
      %add3A_50 = arith.constant 0 : i32
      %add3A_51 = arith.addi %add3A_50, %mul3A_49 : i32
      %add3A_52 = arith.constant 0 : i32
      %add3A_53 = arith.addi %add3A_51, %add3A_52 : i32
      %lt3A_54 = arith.constant 125 : i32
      %lt3A_55 = arith.cmpi slt, %add3A_53, %lt3A_54 : i32
      %convert_element_type3A_56 = arith.extui %lt3A_55 : i1 to i32
      %cond3A_57 = arith.constant 0 : i32
      %cond3A_58 = arith.cmpi ne, %convert_element_type3A_56, %cond3A_57 : i32
      scf.if %cond3A_58 {
        %mul3A_73 = arith.constant 80 : i32
        %mul3A_74 = arith.muli %add3A_53, %mul3A_73 : i32
        %add3A_75 = arith.addi %multiple_of3A_7, %mul3A_74 : i32
        %multiple_of3A_76 = tpu.assume_multiple %add3A_75, 8 : i32
        %dma_wait3A_77 = tpu.memref_slice %arg4[%multiple_of3A_76] : memref<320000xi32, #tpu.memory_space<hbm>> -> memref<80xi32, #tpu.memory_space<hbm>>
        %dma_wait3A_78 = tpu.memref_slice %arg4[%multiple_of3A_76] : memref<320000xi32, #tpu.memory_space<hbm>> -> memref<80xi32, #tpu.memory_space<hbm>>
        tpu.wait_dma2 semaphore(%arg15 : memref<!tpu.dma_semaphore, #tpu.memory_space<semaphore_mem>>) src(%dma_wait3A_78 : memref<80xi32, #tpu.memory_space<hbm>>) dst(%arg8 : memref<80xi32, #tpu.memory_space<vmem>>)
        %mul3A_79 = arith.constant 80 : i32
        %mul3A_80 = arith.muli %add3A_53, %mul3A_79 : i32
        %multiple_of3A_81 = tpu.assume_multiple %mul3A_80, 8 : i32
        %dma_wait3A_82 = tpu.memref_slice %arg7[%multiple_of3A_81] : memref<10000xi32, #tpu.memory_space<vmem>> -> memref<80xi32, #tpu.memory_space<vmem>>
        %dma_wait3A_83 = arith.constant 0 : i32
        %dma_wait3A_84 = arith.constant 0 : i32
        %dma_wait3A_85 = tpu.memref_slice %arg2[%dma_wait3A_83, %dma_wait3A_84] : memref<10000x128xf32, #tpu.memory_space<hbm>> -> memref<10000x128xf32, #tpu.memory_space<hbm>>
        tpu.wait_indirect_dma semaphore(%arg15 : memref<!tpu.dma_semaphore, #tpu.memory_space<semaphore_mem>>) src(%dma_wait3A_85 : memref<10000x128xf32, #tpu.memory_space<hbm>>) dst(%arg11 : memref<80x128xf32, #tpu.memory_space<vmem>>)
        %dma_start3A_86 = arith.constant 0 : i32
        %dma_start3A_87 = arith.constant 0 : i32
        %dma_start3A_88 = tpu.memref_slice %arg14[%dma_start3A_86, %dma_start3A_87] : memref<10000x128xf32, #tpu.memory_space<vmem_shared>> -> memref<10000x128xf32, #tpu.memory_space<vmem_shared>>
        tpu.enqueue_indirect_dma source(%arg11 : memref<80x128xf32, #tpu.memory_space<vmem>>) target(%dma_start3A_88 : memref<10000x128xf32, #tpu.memory_space<vmem_shared>>) offsets(%arg8 : memref<80xi32, #tpu.memory_space<vmem>>) semaphore(%arg18 : memref<!tpu.dma_semaphore, #tpu.memory_space<semaphore_mem>>) {add = true}
        %add3A_89 = arith.constant 2 : i32
        %add3A_90 = arith.addi %add3A_53, %add3A_89 : i32
        %lt3A_91 = arith.constant 125 : i32
        %lt3A_92 = arith.cmpi slt, %add3A_90, %lt3A_91 : i32
        %convert_element_type3A_93 = arith.extui %lt3A_92 : i1 to i32
        %cond3A_94 = arith.constant 0 : i32
        %cond3A_95 = arith.cmpi ne, %convert_element_type3A_93, %cond3A_94 : i32
        scf.if %cond3A_95 {
          %ge3A = arith.constant 1 : i32
          %ge3A_96 = arith.cmpi sge, %add3A_53, %ge3A : i32
          %convert_element_type3A_97 = arith.extui %ge3A_96 : i1 to i32
          %cond3A_98 = arith.constant 0 : i32
          %cond3A_99 = arith.cmpi ne, %convert_element_type3A_97, %cond3A_98 : i32
          scf.if %cond3A_99 {
            %dma_wait3A_115 = arith.constant 0 : i32
            %dma_wait3A_116 = arith.constant 0 : i32
            %dma_wait3A_117 = tpu.memref_slice %arg14[%dma_wait3A_115, %dma_wait3A_116] : memref<10000x128xf32, #tpu.memory_space<vmem_shared>> -> memref<10000x128xf32, #tpu.memory_space<vmem_shared>>
            tpu.wait_indirect_dma semaphore(%arg20 : memref<!tpu.dma_semaphore, #tpu.memory_space<semaphore_mem>>) src(%arg13 : memref<80x128xf32, #tpu.memory_space<vmem>>) dst(%dma_wait3A_117 : memref<10000x128xf32, #tpu.memory_space<vmem_shared>>)
          } else {
          }
          %add3A_100 = arith.constant 2 : i32
          %add3A_101 = arith.addi %add3A_53, %add3A_100 : i32
          %mul3A_102 = arith.constant 80 : i32
          %mul3A_103 = arith.muli %add3A_101, %mul3A_102 : i32
          %add3A_104 = arith.addi %multiple_of3A_7, %mul3A_103 : i32
          %multiple_of3A_105 = tpu.assume_multiple %add3A_104, 8 : i32
          %dma_start3A_106 = tpu.memref_slice %arg4[%multiple_of3A_105] : memref<320000xi32, #tpu.memory_space<hbm>> -> memref<80xi32, #tpu.memory_space<hbm>>
          %dma_start3A_107 = tpu.memref_slice %arg4[%multiple_of3A_105] : memref<320000xi32, #tpu.memory_space<hbm>> -> memref<80xi32, #tpu.memory_space<hbm>>
          tpu.enqueue_dma source(%dma_start3A_107 : memref<80xi32, #tpu.memory_space<hbm>>) target(%arg10 : memref<80xi32, #tpu.memory_space<vmem>>) target_semaphore(%arg17 : memref<!tpu.dma_semaphore, #tpu.memory_space<semaphore_mem>>)
          %mul3A_108 = arith.constant 80 : i32
          %mul3A_109 = arith.muli %add3A_101, %mul3A_108 : i32
          %multiple_of3A_110 = tpu.assume_multiple %mul3A_109, 8 : i32
          %dma_start3A_111 = tpu.memref_slice %arg7[%multiple_of3A_110] : memref<10000xi32, #tpu.memory_space<vmem>> -> memref<80xi32, #tpu.memory_space<vmem>>
          %dma_start3A_112 = arith.constant 0 : i32
          %dma_start3A_113 = arith.constant 0 : i32
          %dma_start3A_114 = tpu.memref_slice %arg2[%dma_start3A_112, %dma_start3A_113] : memref<10000x128xf32, #tpu.memory_space<hbm>> -> memref<10000x128xf32, #tpu.memory_space<hbm>>
          tpu.enqueue_indirect_dma source(%dma_start3A_114 : memref<10000x128xf32, #tpu.memory_space<hbm>>) target(%arg13 : memref<80x128xf32, #tpu.memory_space<vmem>>) offsets(%dma_start3A_111 : memref<80xi32, #tpu.memory_space<vmem>>) semaphore(%arg17 : memref<!tpu.dma_semaphore, #tpu.memory_space<semaphore_mem>>)
        } else {
        }
      } else {
      }
      %add3A_59 = arith.constant 1 : i32
      %add3A_60 = arith.addi %add3A_51, %add3A_59 : i32
      %lt3A_61 = arith.constant 125 : i32
      %lt3A_62 = arith.cmpi slt, %add3A_60, %lt3A_61 : i32
      %convert_element_type3A_63 = arith.extui %lt3A_62 : i1 to i32
      %cond3A_64 = arith.constant 0 : i32
      %cond3A_65 = arith.cmpi ne, %convert_element_type3A_63, %cond3A_64 : i32
      scf.if %cond3A_65 {
        %mul3A_73 = arith.constant 80 : i32
        %mul3A_74 = arith.muli %add3A_60, %mul3A_73 : i32
        %add3A_75 = arith.addi %multiple_of3A_7, %mul3A_74 : i32
        %multiple_of3A_76 = tpu.assume_multiple %add3A_75, 8 : i32
        %dma_wait3A_77 = tpu.memref_slice %arg4[%multiple_of3A_76] : memref<320000xi32, #tpu.memory_space<hbm>> -> memref<80xi32, #tpu.memory_space<hbm>>
        %dma_wait3A_78 = tpu.memref_slice %arg4[%multiple_of3A_76] : memref<320000xi32, #tpu.memory_space<hbm>> -> memref<80xi32, #tpu.memory_space<hbm>>
        tpu.wait_dma2 semaphore(%arg16 : memref<!tpu.dma_semaphore, #tpu.memory_space<semaphore_mem>>) src(%dma_wait3A_78 : memref<80xi32, #tpu.memory_space<hbm>>) dst(%arg9 : memref<80xi32, #tpu.memory_space<vmem>>)
        %mul3A_79 = arith.constant 80 : i32
        %mul3A_80 = arith.muli %add3A_60, %mul3A_79 : i32
        %multiple_of3A_81 = tpu.assume_multiple %mul3A_80, 8 : i32
        %dma_wait3A_82 = tpu.memref_slice %arg7[%multiple_of3A_81] : memref<10000xi32, #tpu.memory_space<vmem>> -> memref<80xi32, #tpu.memory_space<vmem>>
        %dma_wait3A_83 = arith.constant 0 : i32
        %dma_wait3A_84 = arith.constant 0 : i32
        %dma_wait3A_85 = tpu.memref_slice %arg2[%dma_wait3A_83, %dma_wait3A_84] : memref<10000x128xf32, #tpu.memory_space<hbm>> -> memref<10000x128xf32, #tpu.memory_space<hbm>>
        tpu.wait_indirect_dma semaphore(%arg16 : memref<!tpu.dma_semaphore, #tpu.memory_space<semaphore_mem>>) src(%dma_wait3A_85 : memref<10000x128xf32, #tpu.memory_space<hbm>>) dst(%arg12 : memref<80x128xf32, #tpu.memory_space<vmem>>)
        %dma_start3A_86 = arith.constant 0 : i32
        %dma_start3A_87 = arith.constant 0 : i32
        %dma_start3A_88 = tpu.memref_slice %arg14[%dma_start3A_86, %dma_start3A_87] : memref<10000x128xf32, #tpu.memory_space<vmem_shared>> -> memref<10000x128xf32, #tpu.memory_space<vmem_shared>>
        tpu.enqueue_indirect_dma source(%arg12 : memref<80x128xf32, #tpu.memory_space<vmem>>) target(%dma_start3A_88 : memref<10000x128xf32, #tpu.memory_space<vmem_shared>>) offsets(%arg9 : memref<80xi32, #tpu.memory_space<vmem>>) semaphore(%arg19 : memref<!tpu.dma_semaphore, #tpu.memory_space<semaphore_mem>>) {add = true}
        %add3A_89 = arith.constant 2 : i32
        %add3A_90 = arith.addi %add3A_60, %add3A_89 : i32
        %lt3A_91 = arith.constant 125 : i32
        %lt3A_92 = arith.cmpi slt, %add3A_90, %lt3A_91 : i32
        %convert_element_type3A_93 = arith.extui %lt3A_92 : i1 to i32
        %cond3A_94 = arith.constant 0 : i32
        %cond3A_95 = arith.cmpi ne, %convert_element_type3A_93, %cond3A_94 : i32
        scf.if %cond3A_95 {
          %ge3A = arith.constant 1 : i32
          %ge3A_96 = arith.cmpi sge, %add3A_60, %ge3A : i32
          %convert_element_type3A_97 = arith.extui %ge3A_96 : i1 to i32
          %cond3A_98 = arith.constant 0 : i32
          %cond3A_99 = arith.cmpi ne, %convert_element_type3A_97, %cond3A_98 : i32
          scf.if %cond3A_99 {
            %dma_wait3A_115 = arith.constant 0 : i32
            %dma_wait3A_116 = arith.constant 0 : i32
            %dma_wait3A_117 = tpu.memref_slice %arg14[%dma_wait3A_115, %dma_wait3A_116] : memref<10000x128xf32, #tpu.memory_space<vmem_shared>> -> memref<10000x128xf32, #tpu.memory_space<vmem_shared>>
            tpu.wait_indirect_dma semaphore(%arg18 : memref<!tpu.dma_semaphore, #tpu.memory_space<semaphore_mem>>) src(%arg11 : memref<80x128xf32, #tpu.memory_space<vmem>>) dst(%dma_wait3A_117 : memref<10000x128xf32, #tpu.memory_space<vmem_shared>>)
          } else {
          }
          %add3A_100 = arith.constant 2 : i32
          %add3A_101 = arith.addi %add3A_60, %add3A_100 : i32
          %mul3A_102 = arith.constant 80 : i32
          %mul3A_103 = arith.muli %add3A_101, %mul3A_102 : i32
          %add3A_104 = arith.addi %multiple_of3A_7, %mul3A_103 : i32
          %multiple_of3A_105 = tpu.assume_multiple %add3A_104, 8 : i32
          %dma_start3A_106 = tpu.memref_slice %arg4[%multiple_of3A_105] : memref<320000xi32, #tpu.memory_space<hbm>> -> memref<80xi32, #tpu.memory_space<hbm>>
          %dma_start3A_107 = tpu.memref_slice %arg4[%multiple_of3A_105] : memref<320000xi32, #tpu.memory_space<hbm>> -> memref<80xi32, #tpu.memory_space<hbm>>
          tpu.enqueue_dma source(%dma_start3A_107 : memref<80xi32, #tpu.memory_space<hbm>>) target(%arg8 : memref<80xi32, #tpu.memory_space<vmem>>) target_semaphore(%arg15 : memref<!tpu.dma_semaphore, #tpu.memory_space<semaphore_mem>>)
          %mul3A_108 = arith.constant 80 : i32
          %mul3A_109 = arith.muli %add3A_101, %mul3A_108 : i32
          %multiple_of3A_110 = tpu.assume_multiple %mul3A_109, 8 : i32
          %dma_start3A_111 = tpu.memref_slice %arg7[%multiple_of3A_110] : memref<10000xi32, #tpu.memory_space<vmem>> -> memref<80xi32, #tpu.memory_space<vmem>>
          %dma_start3A_112 = arith.constant 0 : i32
          %dma_start3A_113 = arith.constant 0 : i32
          %dma_start3A_114 = tpu.memref_slice %arg2[%dma_start3A_112, %dma_start3A_113] : memref<10000x128xf32, #tpu.memory_space<hbm>> -> memref<10000x128xf32, #tpu.memory_space<hbm>>
          tpu.enqueue_indirect_dma source(%dma_start3A_114 : memref<10000x128xf32, #tpu.memory_space<hbm>>) target(%arg11 : memref<80x128xf32, #tpu.memory_space<vmem>>) offsets(%dma_start3A_111 : memref<80xi32, #tpu.memory_space<vmem>>) semaphore(%arg15 : memref<!tpu.dma_semaphore, #tpu.memory_space<semaphore_mem>>)
        } else {
        }
      } else {
      }
      %add3A_66 = arith.constant 2 : i32
      %add3A_67 = arith.addi %add3A_51, %add3A_66 : i32
      %lt3A_68 = arith.constant 125 : i32
      %lt3A_69 = arith.cmpi slt, %add3A_67, %lt3A_68 : i32
      %convert_element_type3A_70 = arith.extui %lt3A_69 : i1 to i32
      %cond3A_71 = arith.constant 0 : i32
      %cond3A_72 = arith.cmpi ne, %convert_element_type3A_70, %cond3A_71 : i32
      scf.if %cond3A_72 {
        %mul3A_73 = arith.constant 80 : i32
        %mul3A_74 = arith.muli %add3A_67, %mul3A_73 : i32
        %add3A_75 = arith.addi %multiple_of3A_7, %mul3A_74 : i32
        %multiple_of3A_76 = tpu.assume_multiple %add3A_75, 8 : i32
        %dma_wait3A_77 = tpu.memref_slice %arg4[%multiple_of3A_76] : memref<320000xi32, #tpu.memory_space<hbm>> -> memref<80xi32, #tpu.memory_space<hbm>>
        %dma_wait3A_78 = tpu.memref_slice %arg4[%multiple_of3A_76] : memref<320000xi32, #tpu.memory_space<hbm>> -> memref<80xi32, #tpu.memory_space<hbm>>
        tpu.wait_dma2 semaphore(%arg17 : memref<!tpu.dma_semaphore, #tpu.memory_space<semaphore_mem>>) src(%dma_wait3A_78 : memref<80xi32, #tpu.memory_space<hbm>>) dst(%arg10 : memref<80xi32, #tpu.memory_space<vmem>>)
        %mul3A_79 = arith.constant 80 : i32
        %mul3A_80 = arith.muli %add3A_67, %mul3A_79 : i32
        %multiple_of3A_81 = tpu.assume_multiple %mul3A_80, 8 : i32
        %dma_wait3A_82 = tpu.memref_slice %arg7[%multiple_of3A_81] : memref<10000xi32, #tpu.memory_space<vmem>> -> memref<80xi32, #tpu.memory_space<vmem>>
        %dma_wait3A_83 = arith.constant 0 : i32
        %dma_wait3A_84 = arith.constant 0 : i32
        %dma_wait3A_85 = tpu.memref_slice %arg2[%dma_wait3A_83, %dma_wait3A_84] : memref<10000x128xf32, #tpu.memory_space<hbm>> -> memref<10000x128xf32, #tpu.memory_space<hbm>>
        tpu.wait_indirect_dma semaphore(%arg17 : memref<!tpu.dma_semaphore, #tpu.memory_space<semaphore_mem>>) src(%dma_wait3A_85 : memref<10000x128xf32, #tpu.memory_space<hbm>>) dst(%arg13 : memref<80x128xf32, #tpu.memory_space<vmem>>)
        %dma_start3A_86 = arith.constant 0 : i32
        %dma_start3A_87 = arith.constant 0 : i32
        %dma_start3A_88 = tpu.memref_slice %arg14[%dma_start3A_86, %dma_start3A_87] : memref<10000x128xf32, #tpu.memory_space<vmem_shared>> -> memref<10000x128xf32, #tpu.memory_space<vmem_shared>>
        tpu.enqueue_indirect_dma source(%arg13 : memref<80x128xf32, #tpu.memory_space<vmem>>) target(%dma_start3A_88 : memref<10000x128xf32, #tpu.memory_space<vmem_shared>>) offsets(%arg10 : memref<80xi32, #tpu.memory_space<vmem>>) semaphore(%arg20 : memref<!tpu.dma_semaphore, #tpu.memory_space<semaphore_mem>>) {add = true}
        %add3A_89 = arith.constant 2 : i32
        %add3A_90 = arith.addi %add3A_67, %add3A_89 : i32
        %lt3A_91 = arith.constant 125 : i32
        %lt3A_92 = arith.cmpi slt, %add3A_90, %lt3A_91 : i32
        %convert_element_type3A_93 = arith.extui %lt3A_92 : i1 to i32
        %cond3A_94 = arith.constant 0 : i32
        %cond3A_95 = arith.cmpi ne, %convert_element_type3A_93, %cond3A_94 : i32
        scf.if %cond3A_95 {
          %ge3A = arith.constant 1 : i32
          %ge3A_96 = arith.cmpi sge, %add3A_67, %ge3A : i32
          %convert_element_type3A_97 = arith.extui %ge3A_96 : i1 to i32
          %cond3A_98 = arith.constant 0 : i32
          %cond3A_99 = arith.cmpi ne, %convert_element_type3A_97, %cond3A_98 : i32
          scf.if %cond3A_99 {
            %dma_wait3A_115 = arith.constant 0 : i32
            %dma_wait3A_116 = arith.constant 0 : i32
            %dma_wait3A_117 = tpu.memref_slice %arg14[%dma_wait3A_115, %dma_wait3A_116] : memref<10000x128xf32, #tpu.memory_space<vmem_shared>> -> memref<10000x128xf32, #tpu.memory_space<vmem_shared>>
            tpu.wait_indirect_dma semaphore(%arg19 : memref<!tpu.dma_semaphore, #tpu.memory_space<semaphore_mem>>) src(%arg12 : memref<80x128xf32, #tpu.memory_space<vmem>>) dst(%dma_wait3A_117 : memref<10000x128xf32, #tpu.memory_space<vmem_shared>>)
          } else {
          }
          %add3A_100 = arith.constant 2 : i32
          %add3A_101 = arith.addi %add3A_67, %add3A_100 : i32
          %mul3A_102 = arith.constant 80 : i32
          %mul3A_103 = arith.muli %add3A_101, %mul3A_102 : i32
          %add3A_104 = arith.addi %multiple_of3A_7, %mul3A_103 : i32
          %multiple_of3A_105 = tpu.assume_multiple %add3A_104, 8 : i32
          %dma_start3A_106 = tpu.memref_slice %arg4[%multiple_of3A_105] : memref<320000xi32, #tpu.memory_space<hbm>> -> memref<80xi32, #tpu.memory_space<hbm>>
          %dma_start3A_107 = tpu.memref_slice %arg4[%multiple_of3A_105] : memref<320000xi32, #tpu.memory_space<hbm>> -> memref<80xi32, #tpu.memory_space<hbm>>
          tpu.enqueue_dma source(%dma_start3A_107 : memref<80xi32, #tpu.memory_space<hbm>>) target(%arg9 : memref<80xi32, #tpu.memory_space<vmem>>) target_semaphore(%arg16 : memref<!tpu.dma_semaphore, #tpu.memory_space<semaphore_mem>>)
          %mul3A_108 = arith.constant 80 : i32
          %mul3A_109 = arith.muli %add3A_101, %mul3A_108 : i32
          %multiple_of3A_110 = tpu.assume_multiple %mul3A_109, 8 : i32
          %dma_start3A_111 = tpu.memref_slice %arg7[%multiple_of3A_110] : memref<10000xi32, #tpu.memory_space<vmem>> -> memref<80xi32, #tpu.memory_space<vmem>>
          %dma_start3A_112 = arith.constant 0 : i32
          %dma_start3A_113 = arith.constant 0 : i32
          %dma_start3A_114 = tpu.memref_slice %arg2[%dma_start3A_112, %dma_start3A_113] : memref<10000x128xf32, #tpu.memory_space<hbm>> -> memref<10000x128xf32, #tpu.memory_space<hbm>>
          tpu.enqueue_indirect_dma source(%dma_start3A_114 : memref<10000x128xf32, #tpu.memory_space<hbm>>) target(%arg12 : memref<80x128xf32, #tpu.memory_space<vmem>>) offsets(%dma_start3A_111 : memref<80xi32, #tpu.memory_space<vmem>>) semaphore(%arg16 : memref<!tpu.dma_semaphore, #tpu.memory_space<semaphore_mem>>)
        } else {
        }
      } else {
      }
    }
    %scan3A_32 = arith.constant 42 : i32
    %dma_wait3A = arith.constant 0 : i32
    %dma_wait3A_33 = arith.constant 0 : i32
    %dma_wait3A_34 = tpu.memref_slice %arg14[%dma_wait3A, %dma_wait3A_33] : memref<10000x128xf32, #tpu.memory_space<vmem_shared>> -> memref<10000x128xf32, #tpu.memory_space<vmem_shared>>
    tpu.wait_indirect_dma semaphore(%arg20 : memref<!tpu.dma_semaphore, #tpu.memory_space<semaphore_mem>>) src(%arg13 : memref<80x128xf32, #tpu.memory_space<vmem>>) dst(%dma_wait3A_34 : memref<10000x128xf32, #tpu.memory_space<vmem_shared>>)
    %dma_wait3A_35 = arith.constant 0 : i32
    %dma_wait3A_36 = arith.constant 0 : i32
    %dma_wait3A_37 = tpu.memref_slice %arg14[%dma_wait3A_35, %dma_wait3A_36] : memref<10000x128xf32, #tpu.memory_space<vmem_shared>> -> memref<10000x128xf32, #tpu.memory_space<vmem_shared>>
    tpu.wait_indirect_dma semaphore(%arg18 : memref<!tpu.dma_semaphore, #tpu.memory_space<semaphore_mem>>) src(%arg11 : memref<80x128xf32, #tpu.memory_space<vmem>>) dst(%dma_wait3A_37 : memref<10000x128xf32, #tpu.memory_space<vmem_shared>>)
    %dma_wait3A_38 = arith.constant 0 : i32
    %dma_wait3A_39 = arith.constant 0 : i32
    %dma_wait3A_40 = tpu.memref_slice %arg14[%dma_wait3A_38, %dma_wait3A_39] : memref<10000x128xf32, #tpu.memory_space<vmem_shared>> -> memref<10000x128xf32, #tpu.memory_space<vmem_shared>>
    tpu.wait_indirect_dma semaphore(%arg19 : memref<!tpu.dma_semaphore, #tpu.memory_space<semaphore_mem>>) src(%arg12 : memref<80x128xf32, #tpu.memory_space<vmem>>) dst(%dma_wait3A_40 : memref<10000x128xf32, #tpu.memory_space<vmem_shared>>)
    %barrier3A_41 = arith.constant 0 : index
    tpu.barrier barrier_id(%barrier3A_41)
    %lt3A_42 = arith.constant 10 : i32
    %lt3A_43 = arith.cmpi slt, %arg1, %lt3A_42 : i32
    %convert_element_type3A_44 = arith.extui %lt3A_43 : i1 to i32
    %cond3A_45 = arith.constant 0 : i32
    %cond3A_46 = arith.cmpi ne, %convert_element_type3A_44, %cond3A_45 : i32
    scf.if %cond3A_46 {
      "tpu.region"() ({
        %run_scoped3A = tpu.sem_alloc : memref<!tpu.dma_semaphore, #tpu.memory_space<semaphore_mem>>
        %dma_start3A_47 = arith.constant 0 : i32
        %dma_start3A_48 = tpu.memref_slice %arg6[%arg0, %multiple_of3A, %dma_start3A_47] : memref<2x10000x128xf32, #tpu.memory_space<hbm>> -> memref<1x1000x128xf32, #tpu.memory_space<hbm>>
        %dma_start3A_49 = tpu.memref_squeeze %dma_start3A_48 : memref<1x1000x128xf32, #tpu.memory_space<hbm>> -> memref<1000x128xf32, #tpu.memory_space<hbm>>
        %dma_start3A_50 = arith.constant 0 : i32
        %dma_start3A_51 = tpu.memref_slice %arg14[%multiple_of3A, %dma_start3A_50] : memref<10000x128xf32, #tpu.memory_space<vmem_shared>> -> memref<1000x128xf32, #tpu.memory_space<vmem_shared>>
        tpu.enqueue_dma source(%dma_start3A_51 : memref<1000x128xf32, #tpu.memory_space<vmem_shared>>) target(%dma_start3A_49 : memref<1000x128xf32, #tpu.memory_space<hbm>>) target_semaphore(%run_scoped3A : memref<!tpu.dma_semaphore, #tpu.memory_space<semaphore_mem>>)
        %dma_wait3A_52 = arith.constant 0 : i32
        %dma_wait3A_53 = tpu.memref_slice %arg6[%arg0, %multiple_of3A, %dma_wait3A_52] : memref<2x10000x128xf32, #tpu.memory_space<hbm>> -> memref<1x1000x128xf32, #tpu.memory_space<hbm>>
        %dma_wait3A_54 = tpu.memref_squeeze %dma_wait3A_53 : memref<1x1000x128xf32, #tpu.memory_space<hbm>> -> memref<1000x128xf32, #tpu.memory_space<hbm>>
        %dma_wait3A_55 = arith.constant 0 : i32
        %dma_wait3A_56 = tpu.memref_slice %arg14[%multiple_of3A, %dma_wait3A_55] : memref<10000x128xf32, #tpu.memory_space<vmem_shared>> -> memref<1000x128xf32, #tpu.memory_space<vmem_shared>>
        tpu.wait_dma2 semaphore(%run_scoped3A : memref<!tpu.dma_semaphore, #tpu.memory_space<semaphore_mem>>) src(%dma_wait3A_56 : memref<1000x128xf32, #tpu.memory_space<vmem_shared>>) dst(%dma_wait3A_54 : memref<1000x128xf32, #tpu.memory_space<hbm>>)
        tpu.yield
      }) : () -> ()
    } else {
    }
    return
  }
}

module attributes {stable_mosaic.version = 14 : i64} {
  func.func @_mm_scale_body(%arg0: i32, %arg1: memref<400x128xf32, #tpu.memory_space<vmem>>, %arg2: memref<128x128xf32, #tpu.memory_space<vmem>>, %arg3: memref<400x1xf32, #tpu.memory_space<vmem>>, %arg4: memref<400x1xf32, #tpu.memory_space<vmem>>, %arg5: memref<400x128xf32, #tpu.memory_space<vmem>>) attributes {dimension_semantics = [#tpu.dimension_semantics<arbitrary>], iteration_bounds = array<i64: 25>, scalar_prefetch = 0 : i64, scratch_operands = 0 : i64, tpu.core_type = #tpu.core_type<tc>, window_params = [{transform_indices = @transform_0, window_bounds = array<i64: 400, 128>}, {pipeline_mode = #tpu.pipeline_mode<synchronous>, transform_indices = @transform_1, window_bounds = array<i64: 128, 128>}, {transform_indices = @transform_2, window_bounds = array<i64: 400, 1>}, {transform_indices = @transform_3, window_bounds = array<i64: 400, 1>}, {transform_indices = @transform_4, window_bounds = array<i64: 400, 128>}]} {
    %get3A = arith.constant 0 : index
    %get3A_0 = arith.constant 0 : index
    %get3A_1 = vector.load %arg3[%get3A, %get3A_0] : memref<400x1xf32, #tpu.memory_space<vmem>>, vector<400x1xf32>
    %get3A_2 = arith.constant 0 : index
    %get3A_3 = arith.constant 0 : index
    %get3A_4 = vector.load %arg4[%get3A_2, %get3A_3] : memref<400x1xf32, #tpu.memory_space<vmem>>, vector<400x1xf32>
    %add3A = arith.addf %get3A_1, %get3A_4 : vector<400x1xf32>
    %add3A_5 = arith.constant 1.000000e+00 : f32
    %add3A_6 = vector.broadcast %add3A_5 : f32 to vector<400x1xf32>
    %add3A_7 = arith.addf %add3A, %add3A_6 : vector<400x1xf32>
    %rsqrt3A = math.rsqrt %add3A_7 : vector<400x1xf32>
    %get3A_8 = arith.constant 0 : index
    %get3A_9 = arith.constant 0 : index
    %get3A_10 = vector.load %arg1[%get3A_8, %get3A_9] : memref<400x128xf32, #tpu.memory_space<vmem>>, vector<400x128xf32>
    %get3A_11 = arith.constant 0 : index
    %get3A_12 = arith.constant 0 : index
    %get3A_13 = vector.load %arg2[%get3A_11, %get3A_12] : memref<128x128xf32, #tpu.memory_space<vmem>>, vector<128x128xf32>
    %dot_general3A = arith.constant dense<0.000000e+00> : vector<400x128xf32>
    %dot_general3A_14 = tpu.matmul %get3A_10, %get3A_13, %dot_general3A {dimension_numbers = #tpu.dot_dimension_numbers<[1], [0], [0], [1], [0, 0, 1, 1], [], []>, transpose_lhs_hint = false} : vector<400x128xf32>, vector<128x128xf32>, vector<400x128xf32> -> vector<400x128xf32>
    %mul3A = vector.broadcast %rsqrt3A : vector<400x1xf32> to vector<400x128xf32>
    %mul3A_15 = arith.mulf %dot_general3A_14, %mul3A : vector<400x128xf32>
    %swap3A = arith.constant 0 : index
    %swap3A_16 = arith.constant 0 : index
    %swap3A_17 = vector.load %arg5[%swap3A, %swap3A_16] : memref<400x128xf32, #tpu.memory_space<vmem>>, vector<400x128xf32>
    tpu.vector_store %arg5[%swap3A, %swap3A_16], %mul3A_15 {strides = array<i32>} : memref<400x128xf32, #tpu.memory_space<vmem>>, vector<400x128xf32>,
    return
  }
  func.func @transform_0(%arg0: i32) -> (i32, i32) {
    %c0_i32 = arith.constant 0 : i32
    %c0_i32_0 = arith.constant 0 : i32
    return %arg0, %c0_i32 : i32, i32
  }
  func.func @transform_1(%arg0: i32) -> (i32, i32) {
    %c0_i32 = arith.constant 0 : i32
    %c0_i32_0 = arith.constant 0 : i32
    %c0_i32_1 = arith.constant 0 : i32
    return %c0_i32, %c0_i32_0 : i32, i32
  }
  func.func @transform_2(%arg0: i32) -> (i32, i32) {
    %c0_i32 = arith.constant 0 : i32
    %c0_i32_0 = arith.constant 0 : i32
    return %arg0, %c0_i32 : i32, i32
  }
  func.func @transform_3(%arg0: i32) -> (i32, i32) {
    %c0_i32 = arith.constant 0 : i32
    %c0_i32_0 = arith.constant 0 : i32
    return %arg0, %c0_i32 : i32, i32
  }
  func.func @transform_4(%arg0: i32) -> (i32, i32) {
    %c0_i32 = arith.constant 0 : i32
    %c0_i32_0 = arith.constant 0 : i32
    return %arg0, %c0_i32 : i32, i32
  }
}

module attributes {stable_mosaic.version = 14 : i64} {
  func.func @_mid_body(%arg0: i32, %arg1: i32, %arg2: memref<400x128xf32, #tpu.memory_space<vmem>>, %arg3: memref<400x128xf32, #tpu.memory_space<vmem>>, %arg4: memref<400x128xf32, #tpu.memory_space<vmem>>, %arg5: memref<400x1xf32, #tpu.memory_space<vmem>>, %arg6: memref<400x1xf32, #tpu.memory_space<vmem>>, %arg7: memref<8x128xf32, #tpu.memory_space<vmem>>, %arg8: memref<8x128xf32, #tpu.memory_space<vmem>>, %arg9: memref<8x128xf32, #tpu.memory_space<vmem>>, %arg10: memref<128x128xf32, #tpu.memory_space<vmem>>, %arg11: memref<400x128xf32, #tpu.memory_space<vmem>>, %arg12: memref<10000x128xf32, #tpu.memory_space<vmem>>, %arg13: memref<8x128xf32, #tpu.memory_space<vmem>>) attributes {dimension_semantics = [#tpu.dimension_semantics<arbitrary>, #tpu.dimension_semantics<arbitrary>], iteration_bounds = array<i64: 2, 25>, scalar_prefetch = 0 : i64, scratch_operands = 2 : i64, tpu.core_type = #tpu.core_type<tc>, window_params = [{transform_indices = @transform_0, window_bounds = array<i64: 400, 128>}, {transform_indices = @transform_1, window_bounds = array<i64: 400, 128>}, {transform_indices = @transform_2, window_bounds = array<i64: 400, 128>}, {transform_indices = @transform_3, window_bounds = array<i64: 400, 1>}, {transform_indices = @transform_4, window_bounds = array<i64: 400, 1>}, {pipeline_mode = #tpu.pipeline_mode<synchronous>, transform_indices = @transform_5, window_bounds = array<i64: 8, 128>}, {pipeline_mode = #tpu.pipeline_mode<synchronous>, transform_indices = @transform_6, window_bounds = array<i64: 8, 128>}, {pipeline_mode = #tpu.pipeline_mode<synchronous>, transform_indices = @transform_7, window_bounds = array<i64: 8, 128>}, {pipeline_mode = #tpu.pipeline_mode<synchronous>, transform_indices = @transform_8, window_bounds = array<i64: 128, 128>}, {transform_indices = @transform_9, window_bounds = array<i64: 400, 128>}]} {
    %get3A = arith.constant 0 : index
    %get3A_0 = arith.constant 0 : index
    %get3A_1 = vector.load %arg5[%get3A, %get3A_0] : memref<400x1xf32, #tpu.memory_space<vmem>>, vector<400x1xf32>
    %get3A_2 = arith.constant 0 : index
    %get3A_3 = arith.constant 0 : index
    %get3A_4 = vector.load %arg6[%get3A_2, %get3A_3] : memref<400x1xf32, #tpu.memory_space<vmem>>, vector<400x1xf32>
    %add3A = arith.addf %get3A_1, %get3A_4 : vector<400x1xf32>
    %add3A_5 = arith.constant 1.000000e+00 : f32
    %add3A_6 = vector.broadcast %add3A_5 : f32 to vector<400x1xf32>
    %add3A_7 = arith.addf %add3A, %add3A_6 : vector<400x1xf32>
    %rsqrt3A = math.rsqrt %add3A_7 : vector<400x1xf32>
    %eq3A = arith.constant 0 : i32
    %eq3A_8 = arith.cmpi eq, %arg0, %eq3A : i32
    %convert_element_type3A = arith.extui %eq3A_8 : i1 to i32
    %cond3A = arith.constant 0 : i32
    %cond3A_9 = arith.cmpi ne, %convert_element_type3A, %cond3A : i32
    scf.if %cond3A_9 {
      %get3A_15 = arith.constant 0 : index
      %get3A_16 = arith.constant 0 : index
      %get3A_17 = vector.load %arg2[%get3A_15, %get3A_16] : memref<400x128xf32, #tpu.memory_space<vmem>>, vector<400x128xf32>
      %get3A_18 = arith.constant 0 : index
      %get3A_19 = arith.constant 0 : index
      %get3A_20 = vector.load %arg3[%get3A_18, %get3A_19] : memref<400x128xf32, #tpu.memory_space<vmem>>, vector<400x128xf32>
      %add3A_21 = arith.addf %get3A_17, %get3A_20 : vector<400x128xf32>
      %get3A_22 = arith.constant 0 : index
      %get3A_23 = arith.constant 0 : index
      %get3A_24 = vector.load %arg4[%get3A_22, %get3A_23] : memref<400x128xf32, #tpu.memory_space<vmem>>, vector<400x128xf32>
      %add3A_25 = arith.addf %add3A_21, %get3A_24 : vector<400x128xf32>
      %mul3A = vector.broadcast %rsqrt3A : vector<400x1xf32> to vector<400x128xf32>
      %mul3A_26 = arith.mulf %mul3A, %add3A_25 : vector<400x128xf32>
      %get3A_27 = arith.constant 0 : index
      %get3A_28 = arith.constant 0 : index
      %get3A_29 = vector.load %arg7[%get3A_27, %get3A_28] : memref<8x128xf32, #tpu.memory_space<vmem>>, vector<1x128xf32>
      %add3A_30 = vector.broadcast %get3A_29 : vector<1x128xf32> to vector<400x128xf32>
      %add3A_31 = arith.addf %mul3A_26, %add3A_30 : vector<400x128xf32>
      %mul3A_32 = arith.constant 400 : i32
      %mul3A_33 = arith.muli %arg1, %mul3A_32 : i32
      %swap3A = arith.index_cast %mul3A_33 : i32 to index
      %swap3A_34 = arith.constant 0 : index
      %swap3A_35 = vector.load %arg12[%swap3A, %swap3A_34] : memref<10000x128xf32, #tpu.memory_space<vmem>>, vector<400x128xf32>
      tpu.vector_store %arg12[%swap3A, %swap3A_34], %add3A_31 {strides = array<i32>} : memref<10000x128xf32, #tpu.memory_space<vmem>>, vector<400x128xf32>,
      %eq3A_36 = arith.constant 0 : i32
      %eq3A_37 = arith.cmpi eq, %arg1, %eq3A_36 : i32
      %convert_element_type3A_38 = arith.extui %eq3A_37 : i1 to i32
      %cond3A_39 = arith.constant 0 : i32
      %cond3A_40 = arith.cmpi ne, %convert_element_type3A_38, %cond3A_39 : i32
      scf.if %cond3A_40 {
        %broadcast_in_dim3A_55 = arith.constant 0.000000e+00 : f32
        %broadcast_in_dim3A_56 = vector.broadcast %broadcast_in_dim3A_55 : f32 to vector<8x128xf32>
        %swap3A_57 = arith.constant 0 : index
        %swap3A_58 = arith.constant 0 : index
        %swap3A_59 = vector.load %arg13[%swap3A_57, %swap3A_58] : memref<8x128xf32, #tpu.memory_space<vmem>>, vector<8x128xf32>
        tpu.vector_store %arg13[%swap3A_57, %swap3A_58], %broadcast_in_dim3A_56 {strides = array<i32>} : memref<8x128xf32, #tpu.memory_space<vmem>>, vector<8x128xf32>,
      } else {
      }
      %get3A_41 = arith.constant 0 : index
      %get3A_42 = arith.constant 0 : index
      %get3A_43 = vector.load %arg13[%get3A_41, %get3A_42] : memref<8x128xf32, #tpu.memory_space<vmem>>, vector<8x128xf32>
      %reduce_sum3A = arith.constant dense<0.000000e+00> : vector<128xf32>
      %reduce_sum3A_44 = vector.multi_reduction <add>, %add3A_31, %reduce_sum3A [0] : vector<400x128xf32> to vector<128xf32>
      %broadcast_in_dim3A = vector.shape_cast %reduce_sum3A_44 : vector<128xf32> to vector<1x128xf32>
      %mul3A_45 = arith.mulf %add3A_31, %add3A_31 : vector<400x128xf32>
      %reduce_sum3A_46 = arith.constant dense<0.000000e+00> : vector<128xf32>
      %reduce_sum3A_47 = vector.multi_reduction <add>, %mul3A_45, %reduce_sum3A_46 [0] : vector<400x128xf32> to vector<128xf32>
      %broadcast_in_dim3A_48 = vector.shape_cast %reduce_sum3A_47 : vector<128xf32> to vector<1x128xf32>
      %broadcast_in_dim3A_49 = arith.constant 0.000000e+00 : f32
      %broadcast_in_dim3A_50 = vector.broadcast %broadcast_in_dim3A_49 : f32 to vector<6x128xf32>
      %concatenate3A = tpu.concatenate %broadcast_in_dim3A, %broadcast_in_dim3A_48, %broadcast_in_dim3A_50 in 0 : vector<1x128xf32>, vector<1x128xf32>, vector<6x128xf32> -> vector<8x128xf32>
      %add3A_51 = arith.addf %get3A_43, %concatenate3A : vector<8x128xf32>
      %swap3A_52 = arith.constant 0 : index
      %swap3A_53 = arith.constant 0 : index
      %swap3A_54 = vector.load %arg13[%swap3A_52, %swap3A_53] : memref<8x128xf32, #tpu.memory_space<vmem>>, vector<8x128xf32>
      tpu.vector_store %arg13[%swap3A_52, %swap3A_53], %add3A_51 {strides = array<i32>} : memref<8x128xf32, #tpu.memory_space<vmem>>, vector<8x128xf32>,
    } else {
    }
    %eq3A_10 = arith.constant 1 : i32
    %eq3A_11 = arith.cmpi eq, %arg0, %eq3A_10 : i32
    %convert_element_type3A_12 = arith.extui %eq3A_11 : i1 to i32
    %cond3A_13 = arith.constant 0 : i32
    %cond3A_14 = arith.cmpi ne, %convert_element_type3A_12, %cond3A_13 : i32
    scf.if %cond3A_14 {
      %get3A_15 = arith.constant 0 : index
      %get3A_16 = arith.constant 0 : index
      %get3A_17 = vector.load %arg13[%get3A_15, %get3A_16] : memref<8x128xf32, #tpu.memory_space<vmem>>, vector<8x128xf32>
      %slice3A = vector.extract_strided_slice %get3A_17 {offsets = [0, 0], sizes = [1, 128], strides = [1, 1]} : vector<8x128xf32> to vector<1x128xf32>
      %mul3A = arith.constant 9.99999974E-5 : f32
      %mul3A_18 = vector.broadcast %mul3A : f32 to vector<1x128xf32>
      %mul3A_19 = arith.mulf %slice3A, %mul3A_18 : vector<1x128xf32>
      %slice3A_20 = vector.extract_strided_slice %get3A_17 {offsets = [1, 0], sizes = [1, 128], strides = [1, 1]} : vector<8x128xf32> to vector<1x128xf32>
      %mul3A_21 = arith.constant 9.99999974E-5 : f32
      %mul3A_22 = vector.broadcast %mul3A_21 : f32 to vector<1x128xf32>
      %mul3A_23 = arith.mulf %slice3A_20, %mul3A_22 : vector<1x128xf32>
      %mul3A_24 = arith.mulf %mul3A_19, %mul3A_19 : vector<1x128xf32>
      %sub3A = arith.subf %mul3A_23, %mul3A_24 : vector<1x128xf32>
      %mul3A_25 = arith.constant 400 : i32
      %mul3A_26 = arith.muli %arg1, %mul3A_25 : i32
      %get3A_27 = arith.index_cast %mul3A_26 : i32 to index
      %get3A_28 = arith.constant 0 : index
      %get3A_29 = vector.load %arg12[%get3A_27, %get3A_28] : memref<10000x128xf32, #tpu.memory_space<vmem>>, vector<400x128xf32>
      %sub3A_30 = vector.broadcast %mul3A_19 : vector<1x128xf32> to vector<400x128xf32>
      %sub3A_31 = arith.subf %get3A_29, %sub3A_30 : vector<400x128xf32>
      %get3A_32 = arith.constant 0 : index
      %get3A_33 = arith.constant 0 : index
      %get3A_34 = vector.load %arg8[%get3A_32, %get3A_33] : memref<8x128xf32, #tpu.memory_space<vmem>>, vector<1x128xf32>
      %add3A_35 = arith.constant 9.99999974E-6 : f32
      %add3A_36 = vector.broadcast %add3A_35 : f32 to vector<1x128xf32>
      %add3A_37 = arith.addf %sub3A, %add3A_36 : vector<1x128xf32>
      %rsqrt3A_38 = math.rsqrt %add3A_37 : vector<1x128xf32>
      %mul3A_39 = arith.mulf %get3A_34, %rsqrt3A_38 : vector<1x128xf32>
      %mul3A_40 = vector.broadcast %mul3A_39 : vector<1x128xf32> to vector<400x128xf32>
      %mul3A_41 = arith.mulf %sub3A_31, %mul3A_40 : vector<400x128xf32>
      %get3A_42 = arith.constant 0 : index
      %get3A_43 = arith.constant 0 : index
      %get3A_44 = vector.load %arg9[%get3A_42, %get3A_43] : memref<8x128xf32, #tpu.memory_space<vmem>>, vector<1x128xf32>
      %add3A_45 = vector.broadcast %get3A_44 : vector<1x128xf32> to vector<400x128xf32>
      %add3A_46 = arith.addf %mul3A_41, %add3A_45 : vector<400x128xf32>
      %max3A = arith.constant 0.000000e+00 : f32
      %max3A_47 = vector.broadcast %max3A : f32 to vector<400x128xf32>
      %max3A_48 = arith.maximumf %add3A_46, %max3A_47 : vector<400x128xf32>
      %get3A_49 = arith.constant 0 : index
      %get3A_50 = arith.constant 0 : index
      %get3A_51 = vector.load %arg10[%get3A_49, %get3A_50] : memref<128x128xf32, #tpu.memory_space<vmem>>, vector<128x128xf32>
      %dot_general3A = arith.constant dense<0.000000e+00> : vector<400x128xf32>
      %dot_general3A_52 = tpu.matmul %max3A_48, %get3A_51, %dot_general3A {dimension_numbers = #tpu.dot_dimension_numbers<[1], [0], [0], [1], [0, 0, 1, 1], [], []>, transpose_lhs_hint = false} : vector<400x128xf32>, vector<128x128xf32>, vector<400x128xf32> -> vector<400x128xf32>
      %mul3A_53 = vector.broadcast %rsqrt3A : vector<400x1xf32> to vector<400x128xf32>
      %mul3A_54 = arith.mulf %dot_general3A_52, %mul3A_53 : vector<400x128xf32>
      %swap3A = arith.constant 0 : index
      %swap3A_55 = arith.constant 0 : index
      %swap3A_56 = vector.load %arg11[%swap3A, %swap3A_55] : memref<400x128xf32, #tpu.memory_space<vmem>>, vector<400x128xf32>
      tpu.vector_store %arg11[%swap3A, %swap3A_55], %mul3A_54 {strides = array<i32>} : memref<400x128xf32, #tpu.memory_space<vmem>>, vector<400x128xf32>,
    } else {
    }
    return
  }
  func.func @transform_0(%arg0: i32, %arg1: i32) -> (i32, i32) {
    %sub3A = arith.constant 1 : i32
    %sub3A_0 = arith.subi %sub3A, %arg0 : i32
    %mul3A = arith.muli %arg1, %sub3A_0 : i32
    %c0_i32 = arith.constant 0 : i32
    %c0_i32_1 = arith.constant 0 : i32
    return %mul3A, %c0_i32 : i32, i32
  }
  func.func @transform_1(%arg0: i32, %arg1: i32) -> (i32, i32) {
    %sub3A = arith.constant 1 : i32
    %sub3A_0 = arith.subi %sub3A, %arg0 : i32
    %mul3A = arith.muli %arg1, %sub3A_0 : i32
    %c0_i32 = arith.constant 0 : i32
    %c0_i32_1 = arith.constant 0 : i32
    return %mul3A, %c0_i32 : i32, i32
  }
  func.func @transform_2(%arg0: i32, %arg1: i32) -> (i32, i32) {
    %sub3A = arith.constant 1 : i32
    %sub3A_0 = arith.subi %sub3A, %arg0 : i32
    %mul3A = arith.muli %arg1, %sub3A_0 : i32
    %c0_i32 = arith.constant 0 : i32
    %c0_i32_1 = arith.constant 0 : i32
    return %mul3A, %c0_i32 : i32, i32
  }
  func.func @transform_3(%arg0: i32, %arg1: i32) -> (i32, i32) {
    %c0_i32 = arith.constant 0 : i32
    %c0_i32_0 = arith.constant 0 : i32
    return %arg1, %c0_i32 : i32, i32
  }
  func.func @transform_4(%arg0: i32, %arg1: i32) -> (i32, i32) {
    %c0_i32 = arith.constant 0 : i32
    %c0_i32_0 = arith.constant 0 : i32
    return %arg1, %c0_i32 : i32, i32
  }
  func.func @transform_5(%arg0: i32, %arg1: i32) -> (i32, i32) {
    %c0_i32 = arith.constant 0 : i32
    %c0_i32_0 = arith.constant 0 : i32
    %c0_i32_1 = arith.constant 0 : i32
    return %c0_i32, %c0_i32_0 : i32, i32
  }
  func.func @transform_6(%arg0: i32, %arg1: i32) -> (i32, i32) {
    %c0_i32 = arith.constant 0 : i32
    %c0_i32_0 = arith.constant 0 : i32
    %c0_i32_1 = arith.constant 0 : i32
    return %c0_i32, %c0_i32_0 : i32, i32
  }
  func.func @transform_7(%arg0: i32, %arg1: i32) -> (i32, i32) {
    %c0_i32 = arith.constant 0 : i32
    %c0_i32_0 = arith.constant 0 : i32
    %c0_i32_1 = arith.constant 0 : i32
    return %c0_i32, %c0_i32_0 : i32, i32
  }
  func.func @transform_8(%arg0: i32, %arg1: i32) -> (i32, i32) {
    %c0_i32 = arith.constant 0 : i32
    %c0_i32_0 = arith.constant 0 : i32
    %c0_i32_1 = arith.constant 0 : i32
    return %c0_i32, %c0_i32_0 : i32, i32
  }
  func.func @transform_9(%arg0: i32, %arg1: i32) -> (i32, i32) {
    %c0_i32 = arith.constant 0 : i32
    %c0_i32_0 = arith.constant 0 : i32
    return %arg1, %c0_i32 : i32, i32
  }
}

module attributes {stable_mosaic.version = 14 : i64} {
  func.func @_fin_body(%arg0: i32, %arg1: i32, %arg2: memref<400x128xf32, #tpu.memory_space<vmem>>, %arg3: memref<400x128xf32, #tpu.memory_space<vmem>>, %arg4: memref<400x128xf32, #tpu.memory_space<vmem>>, %arg5: memref<400x1xf32, #tpu.memory_space<vmem>>, %arg6: memref<400x1xf32, #tpu.memory_space<vmem>>, %arg7: memref<8x128xf32, #tpu.memory_space<vmem>>, %arg8: memref<8x128xf32, #tpu.memory_space<vmem>>, %arg9: memref<8x128xf32, #tpu.memory_space<vmem>>, %arg10: memref<400x128xf32, #tpu.memory_space<vmem>>, %arg11: memref<10000x128xf32, #tpu.memory_space<vmem>>, %arg12: memref<8x128xf32, #tpu.memory_space<vmem>>) attributes {dimension_semantics = [#tpu.dimension_semantics<arbitrary>, #tpu.dimension_semantics<arbitrary>], iteration_bounds = array<i64: 2, 25>, scalar_prefetch = 0 : i64, scratch_operands = 2 : i64, tpu.core_type = #tpu.core_type<tc>, window_params = [{transform_indices = @transform_0, window_bounds = array<i64: 400, 128>}, {transform_indices = @transform_1, window_bounds = array<i64: 400, 128>}, {transform_indices = @transform_2, window_bounds = array<i64: 400, 128>}, {transform_indices = @transform_3, window_bounds = array<i64: 400, 1>}, {transform_indices = @transform_4, window_bounds = array<i64: 400, 1>}, {pipeline_mode = #tpu.pipeline_mode<synchronous>, transform_indices = @transform_5, window_bounds = array<i64: 8, 128>}, {pipeline_mode = #tpu.pipeline_mode<synchronous>, transform_indices = @transform_6, window_bounds = array<i64: 8, 128>}, {pipeline_mode = #tpu.pipeline_mode<synchronous>, transform_indices = @transform_7, window_bounds = array<i64: 8, 128>}, {transform_indices = @transform_8, window_bounds = array<i64: 400, 128>}]} {
    %get3A = arith.constant 0 : index
    %get3A_0 = arith.constant 0 : index
    %get3A_1 = vector.load %arg5[%get3A, %get3A_0] : memref<400x1xf32, #tpu.memory_space<vmem>>, vector<400x1xf32>
    %get3A_2 = arith.constant 0 : index
    %get3A_3 = arith.constant 0 : index
    %get3A_4 = vector.load %arg6[%get3A_2, %get3A_3] : memref<400x1xf32, #tpu.memory_space<vmem>>, vector<400x1xf32>
    %add3A = arith.addf %get3A_1, %get3A_4 : vector<400x1xf32>
    %add3A_5 = arith.constant 1.000000e+00 : f32
    %add3A_6 = vector.broadcast %add3A_5 : f32 to vector<400x1xf32>
    %add3A_7 = arith.addf %add3A, %add3A_6 : vector<400x1xf32>
    %rsqrt3A = math.rsqrt %add3A_7 : vector<400x1xf32>
    %eq3A = arith.constant 0 : i32
    %eq3A_8 = arith.cmpi eq, %arg0, %eq3A : i32
    %convert_element_type3A = arith.extui %eq3A_8 : i1 to i32
    %cond3A = arith.constant 0 : i32
    %cond3A_9 = arith.cmpi ne, %convert_element_type3A, %cond3A : i32
    scf.if %cond3A_9 {
      %get3A_15 = arith.constant 0 : index
      %get3A_16 = arith.constant 0 : index
      %get3A_17 = vector.load %arg2[%get3A_15, %get3A_16] : memref<400x128xf32, #tpu.memory_space<vmem>>, vector<400x128xf32>
      %get3A_18 = arith.constant 0 : index
      %get3A_19 = arith.constant 0 : index
      %get3A_20 = vector.load %arg3[%get3A_18, %get3A_19] : memref<400x128xf32, #tpu.memory_space<vmem>>, vector<400x128xf32>
      %add3A_21 = arith.addf %get3A_17, %get3A_20 : vector<400x128xf32>
      %get3A_22 = arith.constant 0 : index
      %get3A_23 = arith.constant 0 : index
      %get3A_24 = vector.load %arg4[%get3A_22, %get3A_23] : memref<400x128xf32, #tpu.memory_space<vmem>>, vector<400x128xf32>
      %add3A_25 = arith.addf %add3A_21, %get3A_24 : vector<400x128xf32>
      %mul3A = vector.broadcast %rsqrt3A : vector<400x1xf32> to vector<400x128xf32>
      %mul3A_26 = arith.mulf %mul3A, %add3A_25 : vector<400x128xf32>
      %get3A_27 = arith.constant 0 : index
      %get3A_28 = arith.constant 0 : index
      %get3A_29 = vector.load %arg7[%get3A_27, %get3A_28] : memref<8x128xf32, #tpu.memory_space<vmem>>, vector<1x128xf32>
      %add3A_30 = vector.broadcast %get3A_29 : vector<1x128xf32> to vector<400x128xf32>
      %add3A_31 = arith.addf %mul3A_26, %add3A_30 : vector<400x128xf32>
      %mul3A_32 = arith.constant 400 : i32
      %mul3A_33 = arith.muli %arg1, %mul3A_32 : i32
      %swap3A = arith.index_cast %mul3A_33 : i32 to index
      %swap3A_34 = arith.constant 0 : index
      %swap3A_35 = vector.load %arg11[%swap3A, %swap3A_34] : memref<10000x128xf32, #tpu.memory_space<vmem>>, vector<400x128xf32>
      tpu.vector_store %arg11[%swap3A, %swap3A_34], %add3A_31 {strides = array<i32>} : memref<10000x128xf32, #tpu.memory_space<vmem>>, vector<400x128xf32>,
      %eq3A_36 = arith.constant 0 : i32
      %eq3A_37 = arith.cmpi eq, %arg1, %eq3A_36 : i32
      %convert_element_type3A_38 = arith.extui %eq3A_37 : i1 to i32
      %cond3A_39 = arith.constant 0 : i32
      %cond3A_40 = arith.cmpi ne, %convert_element_type3A_38, %cond3A_39 : i32
      scf.if %cond3A_40 {
        %broadcast_in_dim3A_55 = arith.constant 0.000000e+00 : f32
        %broadcast_in_dim3A_56 = vector.broadcast %broadcast_in_dim3A_55 : f32 to vector<8x128xf32>
        %swap3A_57 = arith.constant 0 : index
        %swap3A_58 = arith.constant 0 : index
        %swap3A_59 = vector.load %arg12[%swap3A_57, %swap3A_58] : memref<8x128xf32, #tpu.memory_space<vmem>>, vector<8x128xf32>
        tpu.vector_store %arg12[%swap3A_57, %swap3A_58], %broadcast_in_dim3A_56 {strides = array<i32>} : memref<8x128xf32, #tpu.memory_space<vmem>>, vector<8x128xf32>,
      } else {
      }
      %get3A_41 = arith.constant 0 : index
      %get3A_42 = arith.constant 0 : index
      %get3A_43 = vector.load %arg12[%get3A_41, %get3A_42] : memref<8x128xf32, #tpu.memory_space<vmem>>, vector<8x128xf32>
      %reduce_sum3A = arith.constant dense<0.000000e+00> : vector<128xf32>
      %reduce_sum3A_44 = vector.multi_reduction <add>, %add3A_31, %reduce_sum3A [0] : vector<400x128xf32> to vector<128xf32>
      %broadcast_in_dim3A = vector.shape_cast %reduce_sum3A_44 : vector<128xf32> to vector<1x128xf32>
      %mul3A_45 = arith.mulf %add3A_31, %add3A_31 : vector<400x128xf32>
      %reduce_sum3A_46 = arith.constant dense<0.000000e+00> : vector<128xf32>
      %reduce_sum3A_47 = vector.multi_reduction <add>, %mul3A_45, %reduce_sum3A_46 [0] : vector<400x128xf32> to vector<128xf32>
      %broadcast_in_dim3A_48 = vector.shape_cast %reduce_sum3A_47 : vector<128xf32> to vector<1x128xf32>
      %broadcast_in_dim3A_49 = arith.constant 0.000000e+00 : f32
      %broadcast_in_dim3A_50 = vector.broadcast %broadcast_in_dim3A_49 : f32 to vector<6x128xf32>
      %concatenate3A = tpu.concatenate %broadcast_in_dim3A, %broadcast_in_dim3A_48, %broadcast_in_dim3A_50 in 0 : vector<1x128xf32>, vector<1x128xf32>, vector<6x128xf32> -> vector<8x128xf32>
      %add3A_51 = arith.addf %get3A_43, %concatenate3A : vector<8x128xf32>
      %swap3A_52 = arith.constant 0 : index
      %swap3A_53 = arith.constant 0 : index
      %swap3A_54 = vector.load %arg12[%swap3A_52, %swap3A_53] : memref<8x128xf32, #tpu.memory_space<vmem>>, vector<8x128xf32>
      tpu.vector_store %arg12[%swap3A_52, %swap3A_53], %add3A_51 {strides = array<i32>} : memref<8x128xf32, #tpu.memory_space<vmem>>, vector<8x128xf32>,
    } else {
    }
    %eq3A_10 = arith.constant 1 : i32
    %eq3A_11 = arith.cmpi eq, %arg0, %eq3A_10 : i32
    %convert_element_type3A_12 = arith.extui %eq3A_11 : i1 to i32
    %cond3A_13 = arith.constant 0 : i32
    %cond3A_14 = arith.cmpi ne, %convert_element_type3A_12, %cond3A_13 : i32
    scf.if %cond3A_14 {
      %get3A_15 = arith.constant 0 : index
      %get3A_16 = arith.constant 0 : index
      %get3A_17 = vector.load %arg12[%get3A_15, %get3A_16] : memref<8x128xf32, #tpu.memory_space<vmem>>, vector<8x128xf32>
      %slice3A = vector.extract_strided_slice %get3A_17 {offsets = [0, 0], sizes = [1, 128], strides = [1, 1]} : vector<8x128xf32> to vector<1x128xf32>
      %mul3A = arith.constant 9.99999974E-5 : f32
      %mul3A_18 = vector.broadcast %mul3A : f32 to vector<1x128xf32>
      %mul3A_19 = arith.mulf %slice3A, %mul3A_18 : vector<1x128xf32>
      %slice3A_20 = vector.extract_strided_slice %get3A_17 {offsets = [1, 0], sizes = [1, 128], strides = [1, 1]} : vector<8x128xf32> to vector<1x128xf32>
      %mul3A_21 = arith.constant 9.99999974E-5 : f32
      %mul3A_22 = vector.broadcast %mul3A_21 : f32 to vector<1x128xf32>
      %mul3A_23 = arith.mulf %slice3A_20, %mul3A_22 : vector<1x128xf32>
      %mul3A_24 = arith.mulf %mul3A_19, %mul3A_19 : vector<1x128xf32>
      %sub3A = arith.subf %mul3A_23, %mul3A_24 : vector<1x128xf32>
      %mul3A_25 = arith.constant 400 : i32
      %mul3A_26 = arith.muli %arg1, %mul3A_25 : i32
      %get3A_27 = arith.index_cast %mul3A_26 : i32 to index
      %get3A_28 = arith.constant 0 : index
      %get3A_29 = vector.load %arg11[%get3A_27, %get3A_28] : memref<10000x128xf32, #tpu.memory_space<vmem>>, vector<400x128xf32>
      %sub3A_30 = vector.broadcast %mul3A_19 : vector<1x128xf32> to vector<400x128xf32>
      %sub3A_31 = arith.subf %get3A_29, %sub3A_30 : vector<400x128xf32>
      %get3A_32 = arith.constant 0 : index
      %get3A_33 = arith.constant 0 : index
      %get3A_34 = vector.load %arg8[%get3A_32, %get3A_33] : memref<8x128xf32, #tpu.memory_space<vmem>>, vector<1x128xf32>
      %add3A_35 = arith.constant 9.99999974E-6 : f32
      %add3A_36 = vector.broadcast %add3A_35 : f32 to vector<1x128xf32>
      %add3A_37 = arith.addf %sub3A, %add3A_36 : vector<1x128xf32>
      %rsqrt3A_38 = math.rsqrt %add3A_37 : vector<1x128xf32>
      %mul3A_39 = arith.mulf %get3A_34, %rsqrt3A_38 : vector<1x128xf32>
      %mul3A_40 = vector.broadcast %mul3A_39 : vector<1x128xf32> to vector<400x128xf32>
      %mul3A_41 = arith.mulf %sub3A_31, %mul3A_40 : vector<400x128xf32>
      %get3A_42 = arith.constant 0 : index
      %get3A_43 = arith.constant 0 : index
      %get3A_44 = vector.load %arg9[%get3A_42, %get3A_43] : memref<8x128xf32, #tpu.memory_space<vmem>>, vector<1x128xf32>
      %add3A_45 = vector.broadcast %get3A_44 : vector<1x128xf32> to vector<400x128xf32>
      %add3A_46 = arith.addf %mul3A_41, %add3A_45 : vector<400x128xf32>
      %max3A = arith.constant 0.000000e+00 : f32
      %max3A_47 = vector.broadcast %max3A : f32 to vector<400x128xf32>
      %max3A_48 = arith.maximumf %add3A_46, %max3A_47 : vector<400x128xf32>
      %swap3A = arith.constant 0 : index
      %swap3A_49 = arith.constant 0 : index
      %swap3A_50 = vector.load %arg10[%swap3A, %swap3A_49] : memref<400x128xf32, #tpu.memory_space<vmem>>, vector<400x128xf32>
      tpu.vector_store %arg10[%swap3A, %swap3A_49], %max3A_48 {strides = array<i32>} : memref<400x128xf32, #tpu.memory_space<vmem>>, vector<400x128xf32>,
    } else {
    }
    return
  }
  func.func @transform_0(%arg0: i32, %arg1: i32) -> (i32, i32) {
    %sub3A = arith.constant 1 : i32
    %sub3A_0 = arith.subi %sub3A, %arg0 : i32
    %mul3A = arith.muli %arg1, %sub3A_0 : i32
    %c0_i32 = arith.constant 0 : i32
    %c0_i32_1 = arith.constant 0 : i32
    return %mul3A, %c0_i32 : i32, i32
  }
  func.func @transform_1(%arg0: i32, %arg1: i32) -> (i32, i32) {
    %sub3A = arith.constant 1 : i32
    %sub3A_0 = arith.subi %sub3A, %arg0 : i32
    %mul3A = arith.muli %arg1, %sub3A_0 : i32
    %c0_i32 = arith.constant 0 : i32
    %c0_i32_1 = arith.constant 0 : i32
    return %mul3A, %c0_i32 : i32, i32
  }
  func.func @transform_2(%arg0: i32, %arg1: i32) -> (i32, i32) {
    %sub3A = arith.constant 1 : i32
    %sub3A_0 = arith.subi %sub3A, %arg0 : i32
    %mul3A = arith.muli %arg1, %sub3A_0 : i32
    %c0_i32 = arith.constant 0 : i32
    %c0_i32_1 = arith.constant 0 : i32
    return %mul3A, %c0_i32 : i32, i32
  }
  func.func @transform_3(%arg0: i32, %arg1: i32) -> (i32, i32) {
    %c0_i32 = arith.constant 0 : i32
    %c0_i32_0 = arith.constant 0 : i32
    return %arg1, %c0_i32 : i32, i32
  }
  func.func @transform_4(%arg0: i32, %arg1: i32) -> (i32, i32) {
    %c0_i32 = arith.constant 0 : i32
    %c0_i32_0 = arith.constant 0 : i32
    return %arg1, %c0_i32 : i32, i32
  }
  func.func @transform_5(%arg0: i32, %arg1: i32) -> (i32, i32) {
    %c0_i32 = arith.constant 0 : i32
    %c0_i32_0 = arith.constant 0 : i32
    %c0_i32_1 = arith.constant 0 : i32
    return %c0_i32, %c0_i32_0 : i32, i32
  }
  func.func @transform_6(%arg0: i32, %arg1: i32) -> (i32, i32) {
    %c0_i32 = arith.constant 0 : i32
    %c0_i32_0 = arith.constant 0 : i32
    %c0_i32_1 = arith.constant 0 : i32
    return %c0_i32, %c0_i32_0 : i32, i32
  }
  func.func @transform_7(%arg0: i32, %arg1: i32) -> (i32, i32) {
    %c0_i32 = arith.constant 0 : i32
    %c0_i32_0 = arith.constant 0 : i32
    %c0_i32_1 = arith.constant 0 : i32
    return %c0_i32, %c0_i32_0 : i32, i32
  }
  func.func @transform_8(%arg0: i32, %arg1: i32) -> (i32, i32) {
    %c0_i32 = arith.constant 0 : i32
    %c0_i32_0 = arith.constant 0 : i32
    return %arg1, %c0_i32 : i32, i32
  }
}

</mosaic_0001>

<sc_bundles>
// kernel: kernel.11.cloned.1.call-start
scs
__scs_entry_jumppad:
0x0: {  	(pc) =	sbr.rel $0x88, $3  }
0x1: {  	(tag) =	ssettag $0x0;
	lr =	simm.s32 $0x1  }
0x2: {  	[smem:$0x3F97] =	sst lr;
	_ =	strace $0xD0000000  }
0x3: {  	_ = 	snop  }
0x4: {  	_ = 	snop  }
0x5: {  	_ = 	snop  }
0x6: {  	_ = 	snop  }
0x7: {  	_ = 	snop  }
__scs_overlays_trampoline_lowered:
0x8: {  	[smem:$0x3FA6] =	sst s0  }
0x9: {  	[smem:$0x3FA7] =	sst s1  }
0xa: {  	[smem:$0x3FA8] =	sst s2  }
0xb: {  	[smem:$0x3FA9] =	sst s3  }
0xc: {  	[smem:$0x3FAA] =	sst s4  }
0xd: {  	[smem:$0x3FAB] =	sst s5  }
0xe: {  	[smem:$0x3FAC] =	sst s6  }
0xf: {  	[smem:$0x3FAD] =	sst s7  }
0x10: {  	[smem:$0x3FAE] =	sst s8  }
0x11: {  	[smem:$0x3FAF] =	sst s9;
	s0 =	simm.s32 @!p0 $0x0  }
0x12: {  	s1 =	sld [smem:$0x3F95];
	s0 =	simm.s32 @p0 $0x1  }
0x13: {  	[smem:$0x3FB0] =	sst s0;
	s0 =	simm.s32 @!p1 $0x0  }
0x14: {  	s2 =	sld [smem:$0x3F94];
	s0 =	simm.s32 @p1 $0x1  }
0x15: {  	[smem:$0x3FB1] =	sst s0;
	s0 =	simm.s32 @!p2 $0x0  }
0x16: {  	s3 =	sld [smem:$0x3FDB];
	s0 =	simm.s32 @p2 $0x1  }
0x17: {  	s4 =	simm.s32 $0x1BF5;
	[smem:$0x3FB3] =	sst s0  }
0x18: {  	s0 =	sld [smem:$0x3F96];
	_ =	swait.ge [sflag:s4], $0x0  }
0x19: {  	s7 =	sld [smem:$0x3F97]  }
0x1a: {  	s8 =	sadd.s32 $0xFFFFE003, lr  }
0x1b: {  	s9 =	sadd.s32 $0xFFFFFEF7, lr;
	s5 =	simm.s32 $0xFFFFFFFF;
	p2 =	slt.u32 s8, $0xFFFFF086  }
0x1c: {  	p1 =	slt.u32 s9, $0xF7A;
	s5 =	simm.s32 @!p2 $0x0  }
0x1d: {  	s5 =	simm.s32 @p1 $0x1;
	p0 =	seq.s32 s7, s2  }
0x1e: {  	s7 =	smul.u32 @!p0 $0xF7A, s2;
	p2 =	seq.s32 @!p0 s5, $0x0  }
0x1f: {  	s9 =	smul.u32 $0xF7A, s1;
	s8 =	simm.s32 @!p0 $0x1BF5;
	p2 =	por !p2, p0  }
0x20: {  	[sflag:s8] =	ssyncset.s32 @!p0 $0xFFFFF086;
	s6 =	sadd.s32 @!p0 s3, s7;
	s7 =	simm.s32 @!p0 $0x108  }
0x21: {  	s3 =	sadd.s32 s3, s9;
	s6 =	sadd.s32 @!p0 $0x88, s6;
	s7 =	simm.s32 @p2 $0x1082  }
0x22: {  	[simem:s7], [sflag:s8] =	dma.local @!p0 [hbm:s6], $0xF7A  }
0x23: {  	s9 =	sor.u32 $0xD0000000, s2;
	s6 =	simm.s32 $0x108;
	_ =	swait.ge @!p0 [sflag:s8], $0x0  }
0x24: {  	s3 =	sadd.s32 $0x88, s3;
	s6 =	simm.s32 @!p1 $0x1082;
	[sflag:s4] =	ssyncset.s32 $0xFFFFF086  }
0x25: {  	[simem:s6], [sflag:s4] =	dma.local [hbm:s3], $0xF7A  }
0x26: {  	[smem:$0x3F97] =	sst s1;
	(tag) =	ssettag s2;
	_ =	strace s9  }
0x27: {  	s1 =	sld [smem:$0x3FA7]  }
0x28: {  	s2 =	sld [smem:$0x3FA8]  }
0x29: {  	s4 =	sld [smem:$0x3FAA]  }
0x2a: {  	p0 =	seq.s32 s5, $0x0;
	s5 =	sld [smem:$0x3FAB]  }
0x2b: {  	s6 =	sld [smem:$0x3FAC]  }
0x2c: {  	s7 =	sld [smem:$0x3FAD]  }
0x2d: {  	s3 =	simm.s32 $0x108;
	s8 =	sld [smem:$0x3FAE]  }
0x2e: {  	s3 =	simm.s32 @!p0 $0x1082;
	s9 =	sld [smem:$0x3FAF]  }
0x2f: {  	lr =	sadd.s32 s0, s3;
	s0 =	sld [smem:$0x3FA6]  }
0x30: {  	s3 =	sld [smem:$0x3FA9]  }
0x31: {  	[smem:$0x3FB2] =	sst s10  }
0x32: {  	s10 =	sld [smem:$0x3FB0];
	_ =	sdelay $0x3  }
0x33: {  	p0 =	seq.s32 s10, $0x1;
	s10 =	sld [smem:$0x3FB2];
	_ =	sdelay $0x3  }
0x34: {  	[smem:$0x3FB2] =	sst s10  }
0x35: {  	s10 =	sld [smem:$0x3FB1];
	_ =	sdelay $0x3  }
0x36: {  	p1 =	seq.s32 s10, $0x1;
	s10 =	sld [smem:$0x3FB2];
	_ =	sdelay $0x3  }
0x37: {  	[smem:$0x3FB2] =	sst s10  }
0x38: {  	s10 =	sld [smem:$0x3FB3]  }
0x39: {  	_ = 	snop;
	(pc) =	sbr.ind lr, $3  }
0x3a: {  	_ = 	snop  }
0x3b: {  	_ = 	snop  }
0x3c: {  	p2 =	seq.s32 s10, $0x1;
	s10 =	sld [smem:$0x3FB2]  }
0x3d: {  	_ =	shalt  }
0x3e: {  	_ =	shalt  }
0x3f: {  	_ =	shalt  }
0x40: {  	_ =	shalt  }
0x41: {  	_ =	shalt  }
0x42: {  	_ =	shalt  }
0x43: {  	_ =	shalt  }
0x44: {  	_ =	shalt  }
0x45: {  	_ =	shalt  }
0x46: {  	_ =	shalt  }
0x47: {  	_ =	shalt  }
0x48: {  	_ =	shalt  }
0x49: {  	_ =	shalt  }
0x4a: {  	_ =	shalt  }
0x4b: {  	_ =	shalt  }
0x4c: {  	_ =	shalt  }
0x4d: {  	_ =	shalt  }
0x4e: {  	_ =	shalt  }
0x4f: {  	_ =	shalt  }
0x50: {  	_ =	shalt  }
0x51: {  	_ =	shalt  }
0x52: {  	_ =	shalt  }
0x53: {  	_ =	shalt  }
0x54: {  	_ =	shalt  }
0x55: {  	_ =	shalt  }
0x56: {  	_ =	shalt  }
0x57: {  	_ =	shalt  }
0x58: {  	_ =	shalt  }
0x59: {  	_ =	shalt  }
0x5a: {  	_ =	shalt  }
0x5b: {  	_ =	shalt  }
0x5c: {  	_ =	shalt  }
0x5d: {  	_ =	shalt  }
0x5e: {  	_ =	shalt  }
0x5f: {  	_ =	shalt  }
0x60: {  	_ =	shalt  }
0x61: {  	_ =	shalt  }
0x62: {  	_ =	shalt  }
0x63: {  	_ =	shalt  }
0x64: {  	_ =	shalt  }
0x65: {  	_ =	shalt  }
0x66: {  	_ =	shalt  }
0x67: {  	_ =	shalt  }
0x68: {  	_ =	shalt  }
0x69: {  	_ =	shalt  }
0x6a: {  	_ =	shalt  }
0x6b: {  	_ =	shalt  }
0x6c: {  	_ =	shalt  }
0x6d: {  	_ =	shalt  }
0x6e: {  	_ =	shalt  }
0x6f: {  	_ =	shalt  }
0x70: {  	_ =	shalt  }
0x71: {  	_ =	shalt  }
0x72: {  	_ =	shalt  }
0x73: {  	_ =	shalt  }
0x74: {  	_ =	shalt  }
0x75: {  	_ =	shalt  }
0x76: {  	_ =	shalt  }
0x77: {  	_ =	shalt  }
0x78: {  	_ =	shalt  }
0x79: {  	_ =	shalt  }
0x7a: {  	_ =	shalt  }
0x7b: {  	_ =	shalt  }
0x7c: {  	_ =	shalt  }
0x7d: {  	_ =	shalt  }
0x7e: {  	_ =	shalt  }
0x7f: {  	_ =	shalt  }
0x80: {  	_ =	shalt  }
0x81: {  	_ =	shalt  }
0x82: {  	_ =	shalt  }
0x83: {  	_ =	shalt  }
0x84: {  	_ =	shalt  }
0x85: {  	_ =	shalt  }
0x86: {  	_ =	shalt  }
0x87: {  	_ =	shalt  }
.Lfunc_end0:
.L_simem_size_0:
called_computation.1_lowered:
.L_overlay_start_0:
0x88: {  	s2 =	sld [smem:$0x3FD9]  }
0x89: {  	s3 =	sld [smem:$0x3FFE];
	_ =	sdelay $0x1  }
0x8a: {  	s1 =	srdreg.scid  }
0x8b: {  	s0 =	sand.u32 $0x1, s1  }
0x8c: {  	s17 =	sshll.u32 s0, $0xA;
	s2 =	sadd.s32 s3, s2  }
0x8d: {  	s2 =	sadd.s32 s2, s17  }
0x8e: {  	[smem:$0x3FBE] =	sst s2  }
0x8f: {  	_ = 	snop  }
0x90: {  	s2 =	sld [smem:$0x3FD0];
	(tm) =	ssettm $0x1  }
0x91: {  	s18 =	sld [smem:$0x3FFB];
	_ =	sdelay $0x3  }
0x92: {  	_ =	strace s18  }
0x93: {  	s3 =	sld [smem:$0x3FFC];
	_ =	sdelay $0x3  }
0x94: {  	_ =	strace s3  }
0x95: {  	s3 =	sld [smem:$0x3FFD];
	_ =	sdelay $0x3  }
0x96: {  	_ =	strace s3  }
0x97: {  	_ =	strace $0x8FFFFFFF  }
0x98: {  	s19 =	sld [smem:$0x3FDB];
	_ =	sdelay $0x1  }
0x99: {  	s4 =	simm.s32 $_scs_section_size  }
0x9a: {  	s5 =	simm.s32 $_size__tile_overlayer_lowered;
	s6 =	simm.s32 $_tile_overlayer_lowered  }
0x9b: {  	s22 =	simm.s32 $0x1BFF;
	s21 =	sshll.u32 s6, $0x1;
	s3 =	sadd.s32 s4, s19  }
0x9c: {  	s7 =	simm.s32 $0x0;
	s20 =	sshll.u32 s5, $0x1;
	s5 =	sadd.s32 s21, s3  }
0x9d: {  	[timem:s7], [sflag:s22] =	dma.local [hbm:s5], s20  }
0x9e: {  	_ =	swait.ge [sflag:s22], s20  }
0x9f: {  	s4 =	ssub.s32 $0x0, s20;
	[sflag:s22] =	ssyncset.done $0x0  }
0xa0: {  	[sflag:s22] =	ssyncadd.s32 s4;
	_ =	sdelay $0x1  }
0xa1: {  	s23 =	simm.s32 $0x1B8B  }
0xa2: {  	_ =	swait.ge [sflag:s23], $0x1  }
0xa3: {  	[sflag:s23] =	ssyncset.done $0x0  }
0xa4: {  	s25 =	simm.s32 $0x1B8E;
	s24 =	sld [smem:$0x3FFE];
	[sflag:s23] =	ssyncadd.s32 $0xFFFFFFFF  }
0xa5: {  	s26 =	simm.s32 $execute0_lowered;
	[smem:$0x3FD2] =	sst s25  }
0xa6: {  	s5 =	sshll.u32 s26, $0x1;
	_ =	strace $0x80000049;
	[dreg:$0x1] =	wrdreg $0xFFFFFFFF  }
0xa7: {  	s28 =	simm.s32 $_size_execute0_lowered;
	s3 =	sadd.s32 s3, s5;
	[dreg:$0x0] =	wrdreg $0x0  }
0xa8: {  	s5 =	sshll.u32 s28, $0x1;
	[dreg:$0x2] =	wrdreg s3  }
0xa9: {  	[dreg:$0x3] =	wrdreg s5  }
0xaa: {  	[dreg:$0x4] =	wrdreg $0xC0  }
0xab: {  	_ =	task [dreg:s7], $0x5FFFF  }
0xac: {  	[dreg:$0x1] =	wrdreg $0xFFFFFFFF  }
0xad: {  	[dreg:$0x0] =	wrdreg $0x60  }
0xae: {  	[dreg:$0x2] =	wrdreg s2  }
0xaf: {  	[dreg:$0x3] =	wrdreg s24  }
0xb0: {  	[dreg:$0x4] =	wrdreg $0xA1000  }
0xb1: {  	[dreg:$0x5] =	wrdreg $0x9  }
0xb2: {  	_ =	task.clear_ibuf [dreg:s7], $0x6FFFF;
	_ =	strace $0x90000049  }
0xb3: {  	s29 =	simm.s32 $0x9;
	_ =	strace $0x8000004B  }
0xb4: {  	_ =	swait.ge [sflag:s29], $0x1  }
0xb5: {  	[sflag:s29] =	ssyncadd.s32 $0xFFFFFFFF  }
0xb6: {  	_ =	strace $0x9000004B  }
0xb7: {  	_ =	sfence  }
0xb8: {  	s30 =	sld [smem:$0x0];
	_ =	sdelay $0x2  }
0xb9: {  	s31 =	sshll.u32 s1, $0xD;
	s1 =	sshrl.u32 s1, $0x2  }
0xba: {  	s3 =	sand.u32 $0x4000, s31;
	s1 =	sadd.s32 s1, s30  }
0xbb: {  	s0 =	sor.u32 s3, s0;
	s1 =	sshll.u32 s1, $0x11  }
0xbc: {  	s0 =	sor.u32 s1, s0  }
0xbd: {  	s0 =	sadd.s32 $0x8F2B, s0  }
0xbe: {  	[sflag:s0] =	ssyncadd.remote.s32 $0x1  }
0xbf: {  	_ =	sfence.sel $0xFFFF  }
0xc0: {  	[dreg:$0x0] =	wrdreg $0xFFFFFFFF;
	(pc) =	sbr.abs _section_cstart, $3  }
0xc1: {  	[dreg:$0x1] =	wrdreg $0xFFFFFFFF  }
0xc2: {  	_ =	task.clear_ibuf [dreg:s7], $0x2FFFF;
	_ =	strace $0x9FFFFFFF  }
0xc3: {  	(tm) =	ssettm $0x7FFFFFFF  }
tec
execute0_lowered:
.L_overlay_start_1:
0x0: {  	(tag) =	ssettag $0x1  }
0x1: {  	s1 =	rddreg [dreg:$0x0]  }
0x2: {  	s0 =	srdreg.scid;
	s6 =	rddreg [dreg:$0x1]  }
0x3: {  	s11 =	stileid.u32;
	s3 =	rddreg [dreg:$0x2]  }
0x4: {  	s4 =	simm.s32 $0x0;
	s28 =	simm.s32 $0x4;
	s29 =	simm.s32 $0x3  }
0x5: {  	s30 =	simm.s32 $0x5;
	s31 =	simm.s32 $0x6;
	s8 =	smul.u32 $0x1F400, s11  }
0x6: {  	s0 =	sand.u32 $0x1, s0;
	[smem:$0x7FF] =	sst s4;
	s18 =	smul.u32 $0x7D000, s11  }
0x7: {  	s5 =	sadd.s32 $0xDA00, s6;
	s10 =	sadd.s32 $0x65C00, s6;
	s21 =	smul.u32 $0x2710, s11  }
0x8: {  	p0 =	sgt.u32 s11, $0x9;
	s2 =	sshll.u32 s0, $0x4;
	s7 =	smul.u32 $0x138800, s0  }
0x9: {  	_ =	strace $0x8000004A;
	[dreg:$0x4] =	wrdreg s10;
	s17 =	ssub.s32 $0x2, s0  }
0xa: {  	s0 =	smul.u32 $0x27100, s0;
	s2 =	sor.u32 s11, s2;
	s19 =	sshrl.u32 s17, $0x1  }
0xb: {  	s20 =	sshrl.u32 s18, $0x2;
	s18 =	simm.s32 $0x2780;
	s2 =	smul.u32 $0x2710, s2  }
0xc: {  	s7 =	sadd.s32 s8, s7;
	s12 =	sadd.s32 s20, s3;
	s0 =	sadd.s32 s21, s0  }
0xd: {  	s20 =	simm.s32 $0x2900;
	s21 =	simm.s32 $0x2800;
	s7 =	sshrl.u32 s7, $0x3  }
0xe: {  	s25 =	sadd.s32 $0xA0, s0;
	s26 =	sadd.s32 $0x140, s0;
	s2 =	sshrl.u32 s2, $0x3  }
0xf: {  	s0 =	sadd.s32 $0xF0, s0;
	s16 =	sshrl.u32 @!p0 s12, $0x3;
	s9 =	sadd.s32 s2, s6  }
0x10: {  	s6 =	sadd.s32 s7, s6;
	s7 =	ssub.s32 s17, s19;
	s2 =	sadd.s32 s5, s2  }
0x11: {  	s17 =	simm.s32 $0x7;
	s22 =	sadd.s32 $0x3C00, s9;
	[dreg:$0x6] =	wrdreg s2  }
0x12: {  	s19 =	simm.s32 $0x50;
	s2 =	sadd.s32 $0xA, s2;
	[dreg:$0x5] =	wrdreg s22  }
0x13: {  	s23 =	sadd.s32 $0x69C00, s6;
	s24 =	smax.u32 s7, $0x1;
	[dreg:$0x7] =	wrdreg s2  }
.Ltmp0:
0x14: {  	s6 =	sshrl.u32 s26, $0x3;
	[dreg:$0x8] =	wrdreg s23;
	(pc) =	sbr.rel .LBB2_1-.Ltmp0, $4  }
0x15: {  	s26 =	simm.s32 $0x2;
	[dreg:$0x9] =	wrdreg s24;
	s2 =	sshrl.u32 s25, $0x3  }
0x16: {  	s6 =	sadd.s32 s6, s5;
	s22 =	simm.s32 $0x5100;
	s23 =	simm.s32 $0x1  }
0x17: {  	s24 =	simm.s32 $0x2880;
	s7 =	sadd.s32 s2, s5;
	s2 =	sshll.u32 @!p0 s11, $0x6  }
0x18: {  	s25 =	simm.s32 $0x7900;
	s15 =	sor.u32 @!p0 $0x1C07, s2;
	s2 =	simm.s32 $0x0  }
.LBB2_7:
0x19: {  	_ =	swait.ge [sflag:s23], $0x50  }
0x1a: {  	[sflag:s23] =	ssyncset.done $0x0  }
0x1b: {  	[sflag:s23] =	ssyncadd.s32 $0xFFFFFFB0  }
0x1c: {  	_ =	swait.ge [sflag:s23], $0x2800  }
0x1d: {  	[sflag:s23] =	ssyncset.done $0x0  }
0x1e: {  	[sflag:s23] =	ssyncadd.s32 $0xFFFFD800  }
0x1f: {  	[spmem:s3] =	stream.indirect.scatter.add.f32 [tilespmem:s20], [sflag:$0x4], $0x80, s18, s19, $0xb8;
	[tilespmem:$0x1D980] =	vst v63  }
0x20: {  	_ =	swait.ge [sflag:s26], $0x50  }
0x21: {  	[sflag:s26] =	ssyncset.done $0x0  }
0x22: {  	[sflag:s26] =	ssyncadd.s32 $0xFFFFFFB0  }
0x23: {  	_ =	swait.ge [sflag:s26], $0x2800  }
0x24: {  	[sflag:s26] =	ssyncset.done $0x0  }
0x25: {  	[sflag:s26] =	ssyncadd.s32 $0xFFFFD800  }
0x26: {  	[spmem:s3] =	stream.indirect.scatter.add.f32 [tilespmem:s22], [sflag:$0x5], $0x80, s21, s19, $0xb8;
	[tilespmem:$0x1D980] =	vst v63  }
0x27: {  	_ =	swait.ge [sflag:s31], $0x2800  }
0x28: {  	[sflag:s31] =	ssyncset.done $0x0  }
0x29: {  	[sflag:s31] =	ssyncadd.s32 $0xFFFFD800  }
0x2a: {  	_ =	swait.ge [sflag:s28], $0x2800  }
0x2b: {  	[sflag:s28] =	ssyncset.done $0x0  }
0x2c: {  	[sflag:s28] =	ssyncadd.s32 $0xFFFFD800  }
0x2d: {  	_ =	swait.ge [sflag:s30], $0x2800  }
0x2e: {  	[sflag:s30] =	ssyncset.done $0x0  }
0x2f: {  	[sflag:s30] =	ssyncadd.s32 $0xFFFFD800  }
0x30: {  	[bflag:$0x0] =	sbarrier.arrive $0xFFFF  }
0x31: {  	s8 =	rddreg [dreg:$0x8]  }
0x32: {  	[hbm:s8], [sflag:s15] =	dma.local @!p0 [spmem:s16], $0x3E80  }
0x33: {  	s8 =	simm.s32 @!p0 $0x7  }
0x34: {  	_ =	swait.ge @!p0 [sflag:s8], $0x3E80  }
0x35: {  	s2 =	sadd.s32 $0x1, s2;
	s9 =	rddreg [dreg:$0x9]  }
0x36: {  	p1 =	sne.s32 s2, s9  }
.Ltmp1:
0x37: {  	_ = 	snop;
	(pc) =	sbr.rel @!p1 .LBB2_8-.Ltmp1, $3  }
0x38: {  	_ =	sdelay $0x1  }
0x39: {  	[sflag:s8] =	ssyncset.done @!p0 $0x0  }
0x3a: {  	[sflag:s8] =	ssyncadd.s32 @!p0 $0xFFFFC180  }
.LBB2_1:
0x3b: {  	s8 =	rddreg [dreg:$0x4];
	s9 =	simm.s32 @!p0 $0x7  }
0x3c: {  	[spmem:s16], [sflag:s15] =	dma.local @!p0 [hbm:s8], $0x3E80  }
0x3d: {  	_ =	swait.ge @!p0 [sflag:s9], $0x3E80  }
0x3e: {  	[sflag:s9] =	ssyncset.done @!p0 $0x0  }
0x3f: {  	s12 =	rddreg [dreg:$0x5];
	[sflag:s9] =	ssyncadd.s32 @!p0 $0xFFFFC180  }
0x40: {  	[tilespmem:s4], [sflag:$0x7] =	stream.linear.gather [hbm4b:s12+s4], $0x2710, $0x38;
	[tilespmem:$0x1D980] =	vst v63  }
0x41: {  	_ =	swait.ge [sflag:s17], $0x2710  }
0x42: {  	[sflag:s17] =	ssyncset.done $0x0  }
0x43: {  	[sflag:s17] =	ssyncadd.s32 $0xFFFFD8F0  }
0x44: {  	[bflag:$0x0] =	sbarrier.arrive $0xFFFF  }
0x45: {  	s13 =	rddreg [dreg:$0x6]  }
0x46: {  	[tilespmem:s18], [sflag:$0x1] =	stream.linear.gather [hbm4b:s13+s4], $0x50, $0x38;
	[tilespmem:$0x1D980] =	vst v63  }
0x47: {  	_ = 	snop  }
0x48: {  	[tilespmem:s20], [sflag:$0x1] =	stream.indirect.gather [hbm4b:s1+s19], $0x80, s4, s19, $0xb8;
	[tilespmem:$0x1D980] =	vst v63  }
.Ltmp2:
0x49: {  	_ = 	snop;
	(pc) =	sbr.rel .LBB2_2-.Ltmp2, $4  }
0x4a: {  	s10 =	simm.s32 $0x0;
	s9 =	simm.s32 $0x0;
	s14 =	rddreg [dreg:$0x7]  }
0x4b: {  	[tilespmem:s21], [sflag:$0x2] =	stream.linear.gather [hbm4b:s14+s4], $0x50, $0x38;
	[tilespmem:$0x1D980] =	vst v63  }
0x4c: {  	s12 =	smov.u32 s7;
	s13 =	smov.u32 s6;
	s14 =	smov.u32 s0  }
0x4d: {  	[tilespmem:s22], [sflag:$0x2] =	stream.indirect.gather [hbm4b:s1+s19], $0x80, s19, s19, $0xb8;
	[tilespmem:$0x1D980] =	vst v63  }
.LBB2_5:
0x4e: {  	[tilespmem:s24], [sflag:$0x3] =	stream.linear.gather [hbm4b:s12+s4], $0x50, $0x38;
	[tilespmem:$0x1D980] =	vst v63  }
0x4f: {  	s11 =	sshra.s32 s9, $0x2  }
0x50: {  	s11 =	sadd.s32 $0xA0, s11  }
0x51: {  	[tilespmem:s25], [sflag:$0x3] =	stream.indirect.gather [hbm4b:s1+s19], $0x80, s11, s19, $0xb8;
	[tilespmem:$0x1D980] =	vst v63  }
.LBB2_6:
0x52: {  	_ =	swait.ge [sflag:s26], $0x50  }
0x53: {  	[sflag:s26] =	ssyncset.done $0x0  }
0x54: {  	[sflag:s26] =	ssyncadd.s32 $0xFFFFFFB0  }
0x55: {  	_ =	swait.ge [sflag:s26], $0x2800  }
0x56: {  	[sflag:s26] =	ssyncset.done $0x0  }
0x57: {  	[sflag:s26] =	ssyncadd.s32 $0xFFFFD800  }
0x58: {  	[spmem:s3] =	stream.indirect.scatter.add.f32 [tilespmem:s22], [sflag:$0x5], $0x80, s21, s19, $0xb8;
	[tilespmem:$0x1D980] =	vst v63  }
0x59: {  	_ =	swait.ge [sflag:s28], $0x2800  }
0x5a: {  	s11 =	sshrl.u32 s14, $0x3;
	[sflag:s28] =	ssyncset.done $0x0  }
0x5b: {  	s11 =	sadd.s32 s5, s11;
	[sflag:s28] =	ssyncadd.s32 $0xFFFFD800  }
0x5c: {  	[tilespmem:s18], [sflag:$0x1] =	stream.linear.gather [hbm4b:s11+s4], $0x50, $0x38;
	[tilespmem:$0x1D980] =	vst v63  }
0x5d: {  	s11 =	sshra.s32 s9, $0x2  }
0x5e: {  	s8 =	sadd.s32 $0xF0, s11  }
0x5f: {  	[tilespmem:s20], [sflag:$0x1] =	stream.indirect.gather [hbm4b:s1+s19], $0x80, s8, s19, $0xb8;
	[tilespmem:$0x1D980] =	vst v63  }
0x60: {  	_ =	swait.ge [sflag:s29], $0x50  }
0x61: {  	[sflag:s29] =	ssyncset.done $0x0  }
0x62: {  	[sflag:s29] =	ssyncadd.s32 $0xFFFFFFB0  }
0x63: {  	_ =	swait.ge [sflag:s29], $0x2800  }
0x64: {  	[sflag:s29] =	ssyncset.done $0x0  }
0x65: {  	s9 =	sadd.s32 $0x3C0, s9;
	[sflag:s29] =	ssyncadd.s32 $0xFFFFD800  }
0x66: {  	[spmem:s3] =	stream.indirect.scatter.add.f32 [tilespmem:s25], [sflag:$0x6], $0x80, s24, s19, $0xb8;
	[tilespmem:$0x1D980] =	vst v63  }
0x67: {  	p1 =	sne.s32 s9, $0x99C0;
	_ =	swait.ge [sflag:s30], $0x2800  }
.Ltmp3:
0x68: {  	[sflag:s30] =	ssyncset.done $0x0;
	(pc) =	sbr.rel @!p1 .LBB2_7-.Ltmp3, $4  }
0x69: {  	s10 =	sadd.s32 $0x1, s10;
	s12 =	sadd.s32 $0x1E, s12;
	[sflag:s30] =	ssyncadd.s32 $0xFFFFD800  }
0x6a: {  	[tilespmem:s21], [sflag:$0x2] =	stream.linear.gather [hbm4b:s13+s4], $0x50, $0x38;
	[tilespmem:$0x1D980] =	vst v63  }
0x6b: {  	s14 =	sadd.s32 $0xF0, s14;
	s11 =	sadd.s32 $0x140, s11;
	s13 =	sadd.s32 $0x1E, s13  }
0x6c: {  	[tilespmem:s22], [sflag:$0x2] =	stream.indirect.gather [hbm4b:s1+s19], $0x80, s11, s19, $0xb8;
	[tilespmem:$0x1D980] =	vst v63  }
.LBB2_2:
0x6d: {  	_ =	swait.ge [sflag:s23], $0x50  }
0x6e: {  	p1 =	seq.s32 s10, $0x0;
	[sflag:s23] =	ssyncset.done $0x0  }
.Ltmp4:
0x6f: {  	[sflag:s23] =	ssyncadd.s32 $0xFFFFFFB0;
	(pc) =	sbr.rel @p1 .LBB2_5-.Ltmp4, $4  }
0x70: {  	_ =	swait.ge [sflag:s23], $0x2800  }
0x71: {  	[sflag:s23] =	ssyncset.done $0x0  }
0x72: {  	[sflag:s23] =	ssyncadd.s32 $0xFFFFD800  }
0x73: {  	[spmem:s3] =	stream.indirect.scatter.add.f32 [tilespmem:s20], [sflag:$0x4], $0x80, s18, s19, $0xb8;
	[tilespmem:$0x1D980] =	vst v63  }
0x74: {  	p1 =	seq.s32 s10, $0x29  }
.Ltmp5:
0x75: {  	_ = 	snop;
	(pc) =	sbr.rel @p1 .LBB2_6-.Ltmp5, $1  }
0x76: {  	_ =	sdelay $0x3  }
.Ltmp6:
0x77: {  	(pc) =	sbr.rel .LBB2_5-.Ltmp6, $4  }
0x78: {  	_ = 	snop  }
0x79: {  	_ =	swait.ge [sflag:s31], $0x2800  }
0x7a: {  	[sflag:s31] =	ssyncset.done $0x0  }
0x7b: {  	[sflag:s31] =	ssyncadd.s32 $0xFFFFD800  }
.LBB2_8:
0x7c: {  	_ =	sfence.sel $0x180000  }
0x7d: {  	[bflag:$0x0] =	sbarrier.arrive $0xFFFF  }
0x7e: {  	_ =	strace $0x9000004A  }
0x7f: {  	s0 =	stileid.u32;
	[bflag:$0x2] =	sbarrier.arrive $0xFFFF  }
0x80: {  	p0 =	sne.s32 s0, $0x0;
	s0 =	rddreg [dreg:$0x3]  }
0x81: {  	s0 =	sadd.s32 @!p0 $0x100000, s0  }
0x82: {  	[sflag:s0] =	ssyncadd.tile.s32 @!p0 $0x1;
	_ =	shalt  }
.Lfunc_end2:
_tile_overlayer_lowered:
.L_overlay_start_2:
0x83: {  	(tag) =	ssettag $0x2  }
0x84: {  	s0 =	rddreg [dreg:$0x0];
	s2 =	stileid.u32  }
0x85: {  	s1 =	rddreg [dreg:$0x1];
	p0 =	sne.s32 s2, $0x0  }
0x86: {  	s3 =	rddreg [dreg:$0x2];
	[bflag:$0x3] =	sbarrier.arrive $0xFFFF;
	s2 =	simm.s32 @!p0 $0x1C07  }
0x87: {  	[timem:s3], [sflag:s2] =	dma.local @!p0 [hbm:s0], s1  }
0x88: {  	s0 =	simm.s32 @!p0 $0x7  }
0x89: {  	_ =	swait.ge @!p0 [sflag:s0], s1  }
0x8a: {  	s1 =	ssub.s32 @!p0 $0x0, s1;
	[sflag:s0] =	ssyncset.done @!p0 $0x0  }
0x8b: {  	[sflag:s0] =	ssyncadd.s32 @!p0 s1  }
0x8c: {  	[bflag:$0x3] =	sbarrier.arrive $0xFFFF  }
0x8d: {  	_ =	shalt  }

// kernel: kernel.14.cloned.1.call-start
scs
__scs_entry_jumppad:
0x0: {  	(pc) =	sbr.rel $0x88, $3  }
0x1: {  	(tag) =	ssettag $0x0;
	lr =	simm.s32 $0x1  }
0x2: {  	[smem:$0x3F97] =	sst lr;
	_ =	strace $0xD0000000  }
0x3: {  	_ = 	snop  }
0x4: {  	_ = 	snop  }
0x5: {  	_ = 	snop  }
0x6: {  	_ = 	snop  }
0x7: {  	_ = 	snop  }
__scs_overlays_trampoline_lowered:
0x8: {  	[smem:$0x3FA6] =	sst s0  }
0x9: {  	[smem:$0x3FA7] =	sst s1  }
0xa: {  	[smem:$0x3FA8] =	sst s2  }
0xb: {  	[smem:$0x3FA9] =	sst s3  }
0xc: {  	[smem:$0x3FAA] =	sst s4  }
0xd: {  	[smem:$0x3FAB] =	sst s5  }
0xe: {  	[smem:$0x3FAC] =	sst s6  }
0xf: {  	[smem:$0x3FAD] =	sst s7  }
0x10: {  	[smem:$0x3FAE] =	sst s8  }
0x11: {  	[smem:$0x3FAF] =	sst s9;
	s0 =	simm.s32 @!p0 $0x0  }
0x12: {  	s1 =	sld [smem:$0x3F95];
	s0 =	simm.s32 @p0 $0x1  }
0x13: {  	[smem:$0x3FB0] =	sst s0;
	s0 =	simm.s32 @!p1 $0x0  }
0x14: {  	s2 =	sld [smem:$0x3F94];
	s0 =	simm.s32 @p1 $0x1  }
0x15: {  	[smem:$0x3FB1] =	sst s0;
	s0 =	simm.s32 @!p2 $0x0  }
0x16: {  	s3 =	sld [smem:$0x3FDB];
	s0 =	simm.s32 @p2 $0x1  }
0x17: {  	s4 =	simm.s32 $0x1BF5;
	[smem:$0x3FB3] =	sst s0  }
0x18: {  	s0 =	sld [smem:$0x3F96];
	_ =	swait.ge [sflag:s4], $0x0  }
0x19: {  	s7 =	sld [smem:$0x3F97]  }
0x1a: {  	s8 =	sadd.s32 $0xFFFFE003, lr  }
0x1b: {  	s9 =	sadd.s32 $0xFFFFFEF7, lr;
	s5 =	simm.s32 $0xFFFFFFFF;
	p2 =	slt.u32 s8, $0xFFFFF086  }
0x1c: {  	p1 =	slt.u32 s9, $0xF7A;
	s5 =	simm.s32 @!p2 $0x0  }
0x1d: {  	s5 =	simm.s32 @p1 $0x1;
	p0 =	seq.s32 s7, s2  }
0x1e: {  	s7 =	smul.u32 @!p0 $0xF7A, s2;
	p2 =	seq.s32 @!p0 s5, $0x0  }
0x1f: {  	s9 =	smul.u32 $0xF7A, s1;
	s8 =	simm.s32 @!p0 $0x1BF5;
	p2 =	por !p2, p0  }
0x20: {  	[sflag:s8] =	ssyncset.s32 @!p0 $0xFFFFF086;
	s6 =	sadd.s32 @!p0 s3, s7;
	s7 =	simm.s32 @!p0 $0x108  }
0x21: {  	s3 =	sadd.s32 s3, s9;
	s6 =	sadd.s32 @!p0 $0x88, s6;
	s7 =	simm.s32 @p2 $0x1082  }
0x22: {  	[simem:s7], [sflag:s8] =	dma.local @!p0 [hbm:s6], $0xF7A  }
0x23: {  	s9 =	sor.u32 $0xD0000000, s2;
	s6 =	simm.s32 $0x108;
	_ =	swait.ge @!p0 [sflag:s8], $0x0  }
0x24: {  	s3 =	sadd.s32 $0x88, s3;
	s6 =	simm.s32 @!p1 $0x1082;
	[sflag:s4] =	ssyncset.s32 $0xFFFFF086  }
0x25: {  	[simem:s6], [sflag:s4] =	dma.local [hbm:s3], $0xF7A  }
0x26: {  	[smem:$0x3F97] =	sst s1;
	(tag) =	ssettag s2;
	_ =	strace s9  }
0x27: {  	s1 =	sld [smem:$0x3FA7]  }
0x28: {  	s2 =	sld [smem:$0x3FA8]  }
0x29: {  	s4 =	sld [smem:$0x3FAA]  }
0x2a: {  	p0 =	seq.s32 s5, $0x0;
	s5 =	sld [smem:$0x3FAB]  }
0x2b: {  	s6 =	sld [smem:$0x3FAC]  }
0x2c: {  	s7 =	sld [smem:$0x3FAD]  }
0x2d: {  	s3 =	simm.s32 $0x108;
	s8 =	sld [smem:$0x3FAE]  }
0x2e: {  	s3 =	simm.s32 @!p0 $0x1082;
	s9 =	sld [smem:$0x3FAF]  }
0x2f: {  	lr =	sadd.s32 s0, s3;
	s0 =	sld [smem:$0x3FA6]  }
0x30: {  	s3 =	sld [smem:$0x3FA9]  }
0x31: {  	[smem:$0x3FB2] =	sst s10  }
0x32: {  	s10 =	sld [smem:$0x3FB0];
	_ =	sdelay $0x3  }
0x33: {  	p0 =	seq.s32 s10, $0x1;
	s10 =	sld [smem:$0x3FB2];
	_ =	sdelay $0x3  }
0x34: {  	[smem:$0x3FB2] =	sst s10  }
0x35: {  	s10 =	sld [smem:$0x3FB1];
	_ =	sdelay $0x3  }
0x36: {  	p1 =	seq.s32 s10, $0x1;
	s10 =	sld [smem:$0x3FB2];
	_ =	sdelay $0x3  }
0x37: {  	[smem:$0x3FB2] =	sst s10  }
0x38: {  	s10 =	sld [smem:$0x3FB3]  }
0x39: {  	_ = 	snop;
	(pc) =	sbr.ind lr, $3  }
0x3a: {  	_ = 	snop  }
0x3b: {  	_ = 	snop  }
0x3c: {  	p2 =	seq.s32 s10, $0x1;
	s10 =	sld [smem:$0x3FB2]  }
0x3d: {  	_ =	shalt  }
0x3e: {  	_ =	shalt  }
0x3f: {  	_ =	shalt  }
0x40: {  	_ =	shalt  }
0x41: {  	_ =	shalt  }
0x42: {  	_ =	shalt  }
0x43: {  	_ =	shalt  }
0x44: {  	_ =	shalt  }
0x45: {  	_ =	shalt  }
0x46: {  	_ =	shalt  }
0x47: {  	_ =	shalt  }
0x48: {  	_ =	shalt  }
0x49: {  	_ =	shalt  }
0x4a: {  	_ =	shalt  }
0x4b: {  	_ =	shalt  }
0x4c: {  	_ =	shalt  }
0x4d: {  	_ =	shalt  }
0x4e: {  	_ =	shalt  }
0x4f: {  	_ =	shalt  }
0x50: {  	_ =	shalt  }
0x51: {  	_ =	shalt  }
0x52: {  	_ =	shalt  }
0x53: {  	_ =	shalt  }
0x54: {  	_ =	shalt  }
0x55: {  	_ =	shalt  }
0x56: {  	_ =	shalt  }
0x57: {  	_ =	shalt  }
0x58: {  	_ =	shalt  }
0x59: {  	_ =	shalt  }
0x5a: {  	_ =	shalt  }
0x5b: {  	_ =	shalt  }
0x5c: {  	_ =	shalt  }
0x5d: {  	_ =	shalt  }
0x5e: {  	_ =	shalt  }
0x5f: {  	_ =	shalt  }
0x60: {  	_ =	shalt  }
0x61: {  	_ =	shalt  }
0x62: {  	_ =	shalt  }
0x63: {  	_ =	shalt  }
0x64: {  	_ =	shalt  }
0x65: {  	_ =	shalt  }
0x66: {  	_ =	shalt  }
0x67: {  	_ =	shalt  }
0x68: {  	_ =	shalt  }
0x69: {  	_ =	shalt  }
0x6a: {  	_ =	shalt  }
0x6b: {  	_ =	shalt  }
0x6c: {  	_ =	shalt  }
0x6d: {  	_ =	shalt  }
0x6e: {  	_ =	shalt  }
0x6f: {  	_ =	shalt  }
0x70: {  	_ =	shalt  }
0x71: {  	_ =	shalt  }
0x72: {  	_ =	shalt  }
0x73: {  	_ =	shalt  }
0x74: {  	_ =	shalt  }
0x75: {  	_ =	shalt  }
0x76: {  	_ =	shalt  }
0x77: {  	_ =	shalt  }
0x78: {  	_ =	shalt  }
0x79: {  	_ =	shalt  }
0x7a: {  	_ =	shalt  }
0x7b: {  	_ =	shalt  }
0x7c: {  	_ =	shalt  }
0x7d: {  	_ =	shalt  }
0x7e: {  	_ =	shalt  }
0x7f: {  	_ =	shalt  }
0x80: {  	_ =	shalt  }
0x81: {  	_ =	shalt  }
0x82: {  	_ =	shalt  }
0x83: {  	_ =	shalt  }
0x84: {  	_ =	shalt  }
0x85: {  	_ =	shalt  }
0x86: {  	_ =	shalt  }
0x87: {  	_ =	shalt  }
.Lfunc_end0:
.L_simem_size_0:
called_computation.2_lowered:
.L_overlay_start_0:
0x88: {  	s2 =	sld [smem:$0x3FD9]  }
0x89: {  	s3 =	sld [smem:$0x3FFE];
	_ =	sdelay $0x1  }
0x8a: {  	s1 =	srdreg.scid  }
0x8b: {  	s0 =	sand.u32 $0x1, s1  }
0x8c: {  	s17 =	sshll.u32 s0, $0xA;
	s2 =	sadd.s32 s3, s2  }
0x8d: {  	s2 =	sadd.s32 s2, s17  }
0x8e: {  	[smem:$0x3FBE] =	sst s2  }
0x8f: {  	_ = 	snop  }
0x90: {  	s2 =	sld [smem:$0x3FD0];
	(tm) =	ssettm $0x1  }
0x91: {  	s18 =	sld [smem:$0x3FFB];
	_ =	sdelay $0x3  }
0x92: {  	_ =	strace s18  }
0x93: {  	s3 =	sld [smem:$0x3FFC];
	_ =	sdelay $0x3  }
0x94: {  	_ =	strace s3  }
0x95: {  	s3 =	sld [smem:$0x3FFD];
	_ =	sdelay $0x3  }
0x96: {  	_ =	strace s3  }
0x97: {  	_ =	strace $0x8FFFFFFF  }
0x98: {  	s19 =	sld [smem:$0x3FDB];
	_ =	sdelay $0x1  }
0x99: {  	s4 =	simm.s32 $_scs_section_size  }
0x9a: {  	s5 =	simm.s32 $_size__tile_overlayer_lowered;
	s6 =	simm.s32 $_tile_overlayer_lowered  }
0x9b: {  	s22 =	simm.s32 $0x1BFF;
	s21 =	sshll.u32 s6, $0x1;
	s3 =	sadd.s32 s4, s19  }
0x9c: {  	s7 =	simm.s32 $0x0;
	s20 =	sshll.u32 s5, $0x1;
	s5 =	sadd.s32 s21, s3  }
0x9d: {  	[timem:s7], [sflag:s22] =	dma.local [hbm:s5], s20  }
0x9e: {  	_ =	swait.ge [sflag:s22], s20  }
0x9f: {  	s4 =	ssub.s32 $0x0, s20;
	[sflag:s22] =	ssyncset.done $0x0  }
0xa0: {  	[sflag:s22] =	ssyncadd.s32 s4;
	_ =	sdelay $0x1  }
0xa1: {  	s23 =	simm.s32 $0x1B8B  }
0xa2: {  	_ =	swait.ge [sflag:s23], $0x1  }
0xa3: {  	[sflag:s23] =	ssyncset.done $0x0  }
0xa4: {  	s25 =	simm.s32 $0x1B8E;
	s24 =	sld [smem:$0x3FFE];
	[sflag:s23] =	ssyncadd.s32 $0xFFFFFFFF  }
0xa5: {  	s26 =	simm.s32 $execute0_lowered;
	[smem:$0x3FD2] =	sst s25  }
0xa6: {  	s5 =	sshll.u32 s26, $0x1;
	_ =	strace $0x8000004C;
	[dreg:$0x1] =	wrdreg $0xFFFFFFFF  }
0xa7: {  	s28 =	simm.s32 $_size_execute0_lowered;
	s3 =	sadd.s32 s3, s5;
	[dreg:$0x0] =	wrdreg $0x0  }
0xa8: {  	s5 =	sshll.u32 s28, $0x1;
	[dreg:$0x2] =	wrdreg s3  }
0xa9: {  	[dreg:$0x3] =	wrdreg s5  }
0xaa: {  	[dreg:$0x4] =	wrdreg $0xC0  }
0xab: {  	_ =	task [dreg:s7], $0x5FFFF  }
0xac: {  	[dreg:$0x1] =	wrdreg $0xFFFFFFFF  }
0xad: {  	[dreg:$0x0] =	wrdreg $0x60  }
0xae: {  	[dreg:$0x2] =	wrdreg s2  }
0xaf: {  	[dreg:$0x3] =	wrdreg s24  }
0xb0: {  	[dreg:$0x4] =	wrdreg $0xA1000  }
0xb1: {  	[dreg:$0x5] =	wrdreg $0x9  }
0xb2: {  	_ =	task.clear_ibuf [dreg:s7], $0x6FFFF;
	_ =	strace $0x9000004C  }
0xb3: {  	s29 =	simm.s32 $0x9;
	_ =	strace $0x8000004E  }
0xb4: {  	_ =	swait.ge [sflag:s29], $0x1  }
0xb5: {  	[sflag:s29] =	ssyncadd.s32 $0xFFFFFFFF  }
0xb6: {  	_ =	strace $0x9000004E  }
0xb7: {  	_ =	sfence  }
0xb8: {  	s30 =	sld [smem:$0x0];
	_ =	sdelay $0x2  }
0xb9: {  	s31 =	sshll.u32 s1, $0xD;
	s1 =	sshrl.u32 s1, $0x2  }
0xba: {  	s3 =	sand.u32 $0x4000, s31;
	s1 =	sadd.s32 s1, s30  }
0xbb: {  	s0 =	sor.u32 s3, s0;
	s1 =	sshll.u32 s1, $0x11  }
0xbc: {  	s0 =	sor.u32 s1, s0  }
0xbd: {  	s0 =	sadd.s32 $0x8F2B, s0  }
0xbe: {  	[sflag:s0] =	ssyncadd.remote.s32 $0x1  }
0xbf: {  	_ =	sfence.sel $0xFFFF  }
0xc0: {  	[dreg:$0x0] =	wrdreg $0xFFFFFFFF;
	(pc) =	sbr.abs _section_cstart, $3  }
0xc1: {  	[dreg:$0x1] =	wrdreg $0xFFFFFFFF  }
0xc2: {  	_ =	task.clear_ibuf [dreg:s7], $0x2FFFF;
	_ =	strace $0x9FFFFFFF  }
0xc3: {  	(tm) =	ssettm $0x7FFFFFFF  }
tec
execute0_lowered:
.L_overlay_start_1:
0x0: {  	(tag) =	ssettag $0x1  }
0x1: {  	s1 =	rddreg [dreg:$0x0]  }
0x2: {  	s0 =	srdreg.scid;
	s6 =	rddreg [dreg:$0x1]  }
0x3: {  	s11 =	stileid.u32;
	s3 =	rddreg [dreg:$0x2]  }
0x4: {  	s4 =	simm.s32 $0x0;
	s28 =	simm.s32 $0x4;
	s29 =	simm.s32 $0x3  }
0x5: {  	s30 =	simm.s32 $0x5;
	s31 =	simm.s32 $0x6;
	s8 =	smul.u32 $0x1F400, s11  }
0x6: {  	s0 =	sand.u32 $0x1, s0;
	[smem:$0x7FF] =	sst s4;
	s18 =	smul.u32 $0x7D000, s11  }
0x7: {  	s5 =	sadd.s32 $0xDA00, s6;
	s10 =	sadd.s32 $0x65C00, s6;
	s21 =	smul.u32 $0x2710, s11  }
0x8: {  	p0 =	sgt.u32 s11, $0x9;
	s2 =	sshll.u32 s0, $0x4;
	s7 =	smul.u32 $0x138800, s0  }
0x9: {  	_ =	strace $0x8000004D;
	[dreg:$0x4] =	wrdreg s10;
	s17 =	ssub.s32 $0x2, s0  }
0xa: {  	s0 =	smul.u32 $0x27100, s0;
	s2 =	sor.u32 s11, s2;
	s19 =	sshrl.u32 s17, $0x1  }
0xb: {  	s20 =	sshrl.u32 s18, $0x2;
	s18 =	simm.s32 $0x2780;
	s2 =	smul.u32 $0x2710, s2  }
0xc: {  	s7 =	sadd.s32 s8, s7;
	s12 =	sadd.s32 s20, s3;
	s0 =	sadd.s32 s21, s0  }
0xd: {  	s20 =	simm.s32 $0x2900;
	s21 =	simm.s32 $0x2800;
	s7 =	sshrl.u32 s7, $0x3  }
0xe: {  	s25 =	sadd.s32 $0xA0, s0;
	s26 =	sadd.s32 $0x140, s0;
	s2 =	sshrl.u32 s2, $0x3  }
0xf: {  	s0 =	sadd.s32 $0xF0, s0;
	s16 =	sshrl.u32 @!p0 s12, $0x3;
	s9 =	sadd.s32 s2, s6  }
0x10: {  	s6 =	sadd.s32 s7, s6;
	s7 =	ssub.s32 s17, s19;
	s2 =	sadd.s32 s5, s2  }
0x11: {  	s17 =	simm.s32 $0x7;
	s22 =	sadd.s32 $0x3C00, s9;
	[dreg:$0x6] =	wrdreg s2  }
0x12: {  	s19 =	simm.s32 $0x50;
	s2 =	sadd.s32 $0xA, s2;
	[dreg:$0x5] =	wrdreg s22  }
0x13: {  	s23 =	sadd.s32 $0x69C00, s6;
	s24 =	smax.u32 s7, $0x1;
	[dreg:$0x7] =	wrdreg s2  }
.Ltmp0:
0x14: {  	s6 =	sshrl.u32 s26, $0x3;
	[dreg:$0x8] =	wrdreg s23;
	(pc) =	sbr.rel .LBB2_1-.Ltmp0, $4  }
0x15: {  	s26 =	simm.s32 $0x2;
	[dreg:$0x9] =	wrdreg s24;
	s2 =	sshrl.u32 s25, $0x3  }
0x16: {  	s6 =	sadd.s32 s6, s5;
	s22 =	simm.s32 $0x5100;
	s23 =	simm.s32 $0x1  }
0x17: {  	s24 =	simm.s32 $0x2880;
	s7 =	sadd.s32 s2, s5;
	s2 =	sshll.u32 @!p0 s11, $0x6  }
0x18: {  	s25 =	simm.s32 $0x7900;
	s15 =	sor.u32 @!p0 $0x1C07, s2;
	s2 =	simm.s32 $0x0  }
.LBB2_7:
0x19: {  	_ =	swait.ge [sflag:s23], $0x50  }
0x1a: {  	[sflag:s23] =	ssyncset.done $0x0  }
0x1b: {  	[sflag:s23] =	ssyncadd.s32 $0xFFFFFFB0  }
0x1c: {  	_ =	swait.ge [sflag:s23], $0x2800  }
0x1d: {  	[sflag:s23] =	ssyncset.done $0x0  }
0x1e: {  	[sflag:s23] =	ssyncadd.s32 $0xFFFFD800  }
0x1f: {  	[spmem:s3] =	stream.indirect.scatter.add.f32 [tilespmem:s20], [sflag:$0x4], $0x80, s18, s19, $0xb8;
	[tilespmem:$0x1D980] =	vst v63  }
0x20: {  	_ =	swait.ge [sflag:s26], $0x50  }
0x21: {  	[sflag:s26] =	ssyncset.done $0x0  }
0x22: {  	[sflag:s26] =	ssyncadd.s32 $0xFFFFFFB0  }
0x23: {  	_ =	swait.ge [sflag:s26], $0x2800  }
0x24: {  	[sflag:s26] =	ssyncset.done $0x0  }
0x25: {  	[sflag:s26] =	ssyncadd.s32 $0xFFFFD800  }
0x26: {  	[spmem:s3] =	stream.indirect.scatter.add.f32 [tilespmem:s22], [sflag:$0x5], $0x80, s21, s19, $0xb8;
	[tilespmem:$0x1D980] =	vst v63  }
0x27: {  	_ =	swait.ge [sflag:s31], $0x2800  }
0x28: {  	[sflag:s31] =	ssyncset.done $0x0  }
0x29: {  	[sflag:s31] =	ssyncadd.s32 $0xFFFFD800  }
0x2a: {  	_ =	swait.ge [sflag:s28], $0x2800  }
0x2b: {  	[sflag:s28] =	ssyncset.done $0x0  }
0x2c: {  	[sflag:s28] =	ssyncadd.s32 $0xFFFFD800  }
0x2d: {  	_ =	swait.ge [sflag:s30], $0x2800  }
0x2e: {  	[sflag:s30] =	ssyncset.done $0x0  }
0x2f: {  	[sflag:s30] =	ssyncadd.s32 $0xFFFFD800  }
0x30: {  	[bflag:$0x0] =	sbarrier.arrive $0xFFFF  }
0x31: {  	s8 =	rddreg [dreg:$0x8]  }
0x32: {  	[hbm:s8], [sflag:s15] =	dma.local @!p0 [spmem:s16], $0x3E80  }
0x33: {  	s8 =	simm.s32 @!p0 $0x7  }
0x34: {  	_ =	swait.ge @!p0 [sflag:s8], $0x3E80  }
0x35: {  	s2 =	sadd.s32 $0x1, s2;
	s9 =	rddreg [dreg:$0x9]  }
0x36: {  	p1 =	sne.s32 s2, s9  }
.Ltmp1:
0x37: {  	_ = 	snop;
	(pc) =	sbr.rel @!p1 .LBB2_8-.Ltmp1, $3  }
0x38: {  	_ =	sdelay $0x1  }
0x39: {  	[sflag:s8] =	ssyncset.done @!p0 $0x0  }
0x3a: {  	[sflag:s8] =	ssyncadd.s32 @!p0 $0xFFFFC180  }
.LBB2_1:
0x3b: {  	s8 =	rddreg [dreg:$0x4];
	s9 =	simm.s32 @!p0 $0x7  }
0x3c: {  	[spmem:s16], [sflag:s15] =	dma.local @!p0 [hbm:s8], $0x3E80  }
0x3d: {  	_ =	swait.ge @!p0 [sflag:s9], $0x3E80  }
0x3e: {  	[sflag:s9] =	ssyncset.done @!p0 $0x0  }
0x3f: {  	s12 =	rddreg [dreg:$0x5];
	[sflag:s9] =	ssyncadd.s32 @!p0 $0xFFFFC180  }
0x40: {  	[tilespmem:s4], [sflag:$0x7] =	stream.linear.gather [hbm4b:s12+s4], $0x2710, $0x38;
	[tilespmem:$0x1D980] =	vst v63  }
0x41: {  	_ =	swait.ge [sflag:s17], $0x2710  }
0x42: {  	[sflag:s17] =	ssyncset.done $0x0  }
0x43: {  	[sflag:s17] =	ssyncadd.s32 $0xFFFFD8F0  }
0x44: {  	[bflag:$0x0] =	sbarrier.arrive $0xFFFF  }
0x45: {  	s13 =	rddreg [dreg:$0x6]  }
0x46: {  	[tilespmem:s18], [sflag:$0x1] =	stream.linear.gather [hbm4b:s13+s4], $0x50, $0x38;
	[tilespmem:$0x1D980] =	vst v63  }
0x47: {  	_ = 	snop  }
0x48: {  	[tilespmem:s20], [sflag:$0x1] =	stream.indirect.gather [hbm4b:s1+s19], $0x80, s4, s19, $0xb8;
	[tilespmem:$0x1D980] =	vst v63  }
.Ltmp2:
0x49: {  	_ = 	snop;
	(pc) =	sbr.rel .LBB2_2-.Ltmp2, $4  }
0x4a: {  	s10 =	simm.s32 $0x0;
	s9 =	simm.s32 $0x0;
	s14 =	rddreg [dreg:$0x7]  }
0x4b: {  	[tilespmem:s21], [sflag:$0x2] =	stream.linear.gather [hbm4b:s14+s4], $0x50, $0x38;
	[tilespmem:$0x1D980] =	vst v63  }
0x4c: {  	s12 =	smov.u32 s7;
	s13 =	smov.u32 s6;
	s14 =	smov.u32 s0  }
0x4d: {  	[tilespmem:s22], [sflag:$0x2] =	stream.indirect.gather [hbm4b:s1+s19], $0x80, s19, s19, $0xb8;
	[tilespmem:$0x1D980] =	vst v63  }
.LBB2_5:
0x4e: {  	[tilespmem:s24], [sflag:$0x3] =	stream.linear.gather [hbm4b:s12+s4], $0x50, $0x38;
	[tilespmem:$0x1D980] =	vst v63  }
0x4f: {  	s11 =	sshra.s32 s9, $0x2  }
0x50: {  	s11 =	sadd.s32 $0xA0, s11  }
0x51: {  	[tilespmem:s25], [sflag:$0x3] =	stream.indirect.gather [hbm4b:s1+s19], $0x80, s11, s19, $0xb8;
	[tilespmem:$0x1D980] =	vst v63  }
.LBB2_6:
0x52: {  	_ =	swait.ge [sflag:s26], $0x50  }
0x53: {  	[sflag:s26] =	ssyncset.done $0x0  }
0x54: {  	[sflag:s26] =	ssyncadd.s32 $0xFFFFFFB0  }
0x55: {  	_ =	swait.ge [sflag:s26], $0x2800  }
0x56: {  	[sflag:s26] =	ssyncset.done $0x0  }
0x57: {  	[sflag:s26] =	ssyncadd.s32 $0xFFFFD800  }
0x58: {  	[spmem:s3] =	stream.indirect.scatter.add.f32 [tilespmem:s22], [sflag:$0x5], $0x80, s21, s19, $0xb8;
	[tilespmem:$0x1D980] =	vst v63  }
0x59: {  	_ =	swait.ge [sflag:s28], $0x2800  }
0x5a: {  	s11 =	sshrl.u32 s14, $0x3;
	[sflag:s28] =	ssyncset.done $0x0  }
0x5b: {  	s11 =	sadd.s32 s5, s11;
	[sflag:s28] =	ssyncadd.s32 $0xFFFFD800  }
0x5c: {  	[tilespmem:s18], [sflag:$0x1] =	stream.linear.gather [hbm4b:s11+s4], $0x50, $0x38;
	[tilespmem:$0x1D980] =	vst v63  }
0x5d: {  	s11 =	sshra.s32 s9, $0x2  }
0x5e: {  	s8 =	sadd.s32 $0xF0, s11  }
0x5f: {  	[tilespmem:s20], [sflag:$0x1] =	stream.indirect.gather [hbm4b:s1+s19], $0x80, s8, s19, $0xb8;
	[tilespmem:$0x1D980] =	vst v63  }
0x60: {  	_ =	swait.ge [sflag:s29], $0x50  }
0x61: {  	[sflag:s29] =	ssyncset.done $0x0  }
0x62: {  	[sflag:s29] =	ssyncadd.s32 $0xFFFFFFB0  }
0x63: {  	_ =	swait.ge [sflag:s29], $0x2800  }
0x64: {  	[sflag:s29] =	ssyncset.done $0x0  }
0x65: {  	s9 =	sadd.s32 $0x3C0, s9;
	[sflag:s29] =	ssyncadd.s32 $0xFFFFD800  }
0x66: {  	[spmem:s3] =	stream.indirect.scatter.add.f32 [tilespmem:s25], [sflag:$0x6], $0x80, s24, s19, $0xb8;
	[tilespmem:$0x1D980] =	vst v63  }
0x67: {  	p1 =	sne.s32 s9, $0x99C0;
	_ =	swait.ge [sflag:s30], $0x2800  }
.Ltmp3:
0x68: {  	[sflag:s30] =	ssyncset.done $0x0;
	(pc) =	sbr.rel @!p1 .LBB2_7-.Ltmp3, $4  }
0x69: {  	s10 =	sadd.s32 $0x1, s10;
	s12 =	sadd.s32 $0x1E, s12;
	[sflag:s30] =	ssyncadd.s32 $0xFFFFD800  }
0x6a: {  	[tilespmem:s21], [sflag:$0x2] =	stream.linear.gather [hbm4b:s13+s4], $0x50, $0x38;
	[tilespmem:$0x1D980] =	vst v63  }
0x6b: {  	s14 =	sadd.s32 $0xF0, s14;
	s11 =	sadd.s32 $0x140, s11;
	s13 =	sadd.s32 $0x1E, s13  }
0x6c: {  	[tilespmem:s22], [sflag:$0x2] =	stream.indirect.gather [hbm4b:s1+s19], $0x80, s11, s19, $0xb8;
	[tilespmem:$0x1D980] =	vst v63  }
.LBB2_2:
0x6d: {  	_ =	swait.ge [sflag:s23], $0x50  }
0x6e: {  	p1 =	seq.s32 s10, $0x0;
	[sflag:s23] =	ssyncset.done $0x0  }
.Ltmp4:
0x6f: {  	[sflag:s23] =	ssyncadd.s32 $0xFFFFFFB0;
	(pc) =	sbr.rel @p1 .LBB2_5-.Ltmp4, $4  }
0x70: {  	_ =	swait.ge [sflag:s23], $0x2800  }
0x71: {  	[sflag:s23] =	ssyncset.done $0x0  }
0x72: {  	[sflag:s23] =	ssyncadd.s32 $0xFFFFD800  }
0x73: {  	[spmem:s3] =	stream.indirect.scatter.add.f32 [tilespmem:s20], [sflag:$0x4], $0x80, s18, s19, $0xb8;
	[tilespmem:$0x1D980] =	vst v63  }
0x74: {  	p1 =	seq.s32 s10, $0x29  }
.Ltmp5:
0x75: {  	_ = 	snop;
	(pc) =	sbr.rel @p1 .LBB2_6-.Ltmp5, $1  }
0x76: {  	_ =	sdelay $0x3  }
.Ltmp6:
0x77: {  	(pc) =	sbr.rel .LBB2_5-.Ltmp6, $4  }
0x78: {  	_ = 	snop  }
0x79: {  	_ =	swait.ge [sflag:s31], $0x2800  }
0x7a: {  	[sflag:s31] =	ssyncset.done $0x0  }
0x7b: {  	[sflag:s31] =	ssyncadd.s32 $0xFFFFD800  }
.LBB2_8:
0x7c: {  	_ =	sfence.sel $0x180000  }
0x7d: {  	[bflag:$0x0] =	sbarrier.arrive $0xFFFF  }
0x7e: {  	_ =	strace $0x9000004D  }
0x7f: {  	s0 =	stileid.u32;
	[bflag:$0x2] =	sbarrier.arrive $0xFFFF  }
0x80: {  	p0 =	sne.s32 s0, $0x0;
	s0 =	rddreg [dreg:$0x3]  }
0x81: {  	s0 =	sadd.s32 @!p0 $0x100000, s0  }
0x82: {  	[sflag:s0] =	ssyncadd.tile.s32 @!p0 $0x1;
	_ =	shalt  }
.Lfunc_end2:
_tile_overlayer_lowered:
.L_overlay_start_2:
0x83: {  	(tag) =	ssettag $0x2  }
0x84: {  	s0 =	rddreg [dreg:$0x0];
	s2 =	stileid.u32  }
0x85: {  	s1 =	rddreg [dreg:$0x1];
	p0 =	sne.s32 s2, $0x0  }
0x86: {  	s3 =	rddreg [dreg:$0x2];
	[bflag:$0x3] =	sbarrier.arrive $0xFFFF;
	s2 =	simm.s32 @!p0 $0x1C07  }
0x87: {  	[timem:s3], [sflag:s2] =	dma.local @!p0 [hbm:s0], s1  }
0x88: {  	s0 =	simm.s32 @!p0 $0x7  }
0x89: {  	_ =	swait.ge @!p0 [sflag:s0], s1  }
0x8a: {  	s1 =	ssub.s32 @!p0 $0x0, s1;
	[sflag:s0] =	ssyncset.done @!p0 $0x0  }
0x8b: {  	[sflag:s0] =	ssyncadd.s32 @!p0 s1  }
0x8c: {  	[bflag:$0x3] =	sbarrier.arrive $0xFFFF  }
0x8d: {  	_ =	shalt  }

// kernel: kernel.8.cloned.1.call-start
scs
__scs_entry_jumppad:
0x0: {  	(pc) =	sbr.rel $0x88, $3  }
0x1: {  	(tag) =	ssettag $0x0;
	lr =	simm.s32 $0x1  }
0x2: {  	[smem:$0x3F97] =	sst lr;
	_ =	strace $0xD0000000  }
0x3: {  	_ = 	snop  }
0x4: {  	_ = 	snop  }
0x5: {  	_ = 	snop  }
0x6: {  	_ = 	snop  }
0x7: {  	_ = 	snop  }
__scs_overlays_trampoline_lowered:
0x8: {  	[smem:$0x3FA6] =	sst s0  }
0x9: {  	[smem:$0x3FA7] =	sst s1  }
0xa: {  	[smem:$0x3FA8] =	sst s2  }
0xb: {  	[smem:$0x3FA9] =	sst s3  }
0xc: {  	[smem:$0x3FAA] =	sst s4  }
0xd: {  	[smem:$0x3FAB] =	sst s5  }
0xe: {  	[smem:$0x3FAC] =	sst s6  }
0xf: {  	[smem:$0x3FAD] =	sst s7  }
0x10: {  	[smem:$0x3FAE] =	sst s8  }
0x11: {  	[smem:$0x3FAF] =	sst s9;
	s0 =	simm.s32 @!p0 $0x0  }
0x12: {  	s1 =	sld [smem:$0x3F95];
	s0 =	simm.s32 @p0 $0x1  }
0x13: {  	[smem:$0x3FB0] =	sst s0;
	s0 =	simm.s32 @!p1 $0x0  }
0x14: {  	s2 =	sld [smem:$0x3F94];
	s0 =	simm.s32 @p1 $0x1  }
0x15: {  	[smem:$0x3FB1] =	sst s0;
	s0 =	simm.s32 @!p2 $0x0  }
0x16: {  	s3 =	sld [smem:$0x3FDB];
	s0 =	simm.s32 @p2 $0x1  }
0x17: {  	s4 =	simm.s32 $0x1BF5;
	[smem:$0x3FB3] =	sst s0  }
0x18: {  	s0 =	sld [smem:$0x3F96];
	_ =	swait.ge [sflag:s4], $0x0  }
0x19: {  	s7 =	sld [smem:$0x3F97]  }
0x1a: {  	s8 =	sadd.s32 $0xFFFFE003, lr  }
0x1b: {  	s9 =	sadd.s32 $0xFFFFFEF7, lr;
	s5 =	simm.s32 $0xFFFFFFFF;
	p2 =	slt.u32 s8, $0xFFFFF086  }
0x1c: {  	p1 =	slt.u32 s9, $0xF7A;
	s5 =	simm.s32 @!p2 $0x0  }
0x1d: {  	s5 =	simm.s32 @p1 $0x1;
	p0 =	seq.s32 s7, s2  }
0x1e: {  	s7 =	smul.u32 @!p0 $0xF7A, s2;
	p2 =	seq.s32 @!p0 s5, $0x0  }
0x1f: {  	s9 =	smul.u32 $0xF7A, s1;
	s8 =	simm.s32 @!p0 $0x1BF5;
	p2 =	por !p2, p0  }
0x20: {  	[sflag:s8] =	ssyncset.s32 @!p0 $0xFFFFF086;
	s6 =	sadd.s32 @!p0 s3, s7;
	s7 =	simm.s32 @!p0 $0x108  }
0x21: {  	s3 =	sadd.s32 s3, s9;
	s6 =	sadd.s32 @!p0 $0x88, s6;
	s7 =	simm.s32 @p2 $0x1082  }
0x22: {  	[simem:s7], [sflag:s8] =	dma.local @!p0 [hbm:s6], $0xF7A  }
0x23: {  	s9 =	sor.u32 $0xD0000000, s2;
	s6 =	simm.s32 $0x108;
	_ =	swait.ge @!p0 [sflag:s8], $0x0  }
0x24: {  	s3 =	sadd.s32 $0x88, s3;
	s6 =	simm.s32 @!p1 $0x1082;
	[sflag:s4] =	ssyncset.s32 $0xFFFFF086  }
0x25: {  	[simem:s6], [sflag:s4] =	dma.local [hbm:s3], $0xF7A  }
0x26: {  	[smem:$0x3F97] =	sst s1;
	(tag) =	ssettag s2;
	_ =	strace s9  }
0x27: {  	s1 =	sld [smem:$0x3FA7]  }
0x28: {  	s2 =	sld [smem:$0x3FA8]  }
0x29: {  	s4 =	sld [smem:$0x3FAA]  }
0x2a: {  	p0 =	seq.s32 s5, $0x0;
	s5 =	sld [smem:$0x3FAB]  }
0x2b: {  	s6 =	sld [smem:$0x3FAC]  }
0x2c: {  	s7 =	sld [smem:$0x3FAD]  }
0x2d: {  	s3 =	simm.s32 $0x108;
	s8 =	sld [smem:$0x3FAE]  }
0x2e: {  	s3 =	simm.s32 @!p0 $0x1082;
	s9 =	sld [smem:$0x3FAF]  }
0x2f: {  	lr =	sadd.s32 s0, s3;
	s0 =	sld [smem:$0x3FA6]  }
0x30: {  	s3 =	sld [smem:$0x3FA9]  }
0x31: {  	[smem:$0x3FB2] =	sst s10  }
0x32: {  	s10 =	sld [smem:$0x3FB0];
	_ =	sdelay $0x3  }
0x33: {  	p0 =	seq.s32 s10, $0x1;
	s10 =	sld [smem:$0x3FB2];
	_ =	sdelay $0x3  }
0x34: {  	[smem:$0x3FB2] =	sst s10  }
0x35: {  	s10 =	sld [smem:$0x3FB1];
	_ =	sdelay $0x3  }
0x36: {  	p1 =	seq.s32 s10, $0x1;
	s10 =	sld [smem:$0x3FB2];
	_ =	sdelay $0x3  }
0x37: {  	[smem:$0x3FB2] =	sst s10  }
0x38: {  	s10 =	sld [smem:$0x3FB3]  }
0x39: {  	_ = 	snop;
	(pc) =	sbr.ind lr, $3  }
0x3a: {  	_ = 	snop  }
0x3b: {  	_ = 	snop  }
0x3c: {  	p2 =	seq.s32 s10, $0x1;
	s10 =	sld [smem:$0x3FB2]  }
0x3d: {  	_ =	shalt  }
0x3e: {  	_ =	shalt  }
0x3f: {  	_ =	shalt  }
0x40: {  	_ =	shalt  }
0x41: {  	_ =	shalt  }
0x42: {  	_ =	shalt  }
0x43: {  	_ =	shalt  }
0x44: {  	_ =	shalt  }
0x45: {  	_ =	shalt  }
0x46: {  	_ =	shalt  }
0x47: {  	_ =	shalt  }
0x48: {  	_ =	shalt  }
0x49: {  	_ =	shalt  }
0x4a: {  	_ =	shalt  }
0x4b: {  	_ =	shalt  }
0x4c: {  	_ =	shalt  }
0x4d: {  	_ =	shalt  }
0x4e: {  	_ =	shalt  }
0x4f: {  	_ =	shalt  }
0x50: {  	_ =	shalt  }
0x51: {  	_ =	shalt  }
0x52: {  	_ =	shalt  }
0x53: {  	_ =	shalt  }
0x54: {  	_ =	shalt  }
0x55: {  	_ =	shalt  }
0x56: {  	_ =	shalt  }
0x57: {  	_ =	shalt  }
0x58: {  	_ =	shalt  }
0x59: {  	_ =	shalt  }
0x5a: {  	_ =	shalt  }
0x5b: {  	_ =	shalt  }
0x5c: {  	_ =	shalt  }
0x5d: {  	_ =	shalt  }
0x5e: {  	_ =	shalt  }
0x5f: {  	_ =	shalt  }
0x60: {  	_ =	shalt  }
0x61: {  	_ =	shalt  }
0x62: {  	_ =	shalt  }
0x63: {  	_ =	shalt  }
0x64: {  	_ =	shalt  }
0x65: {  	_ =	shalt  }
0x66: {  	_ =	shalt  }
0x67: {  	_ =	shalt  }
0x68: {  	_ =	shalt  }
0x69: {  	_ =	shalt  }
0x6a: {  	_ =	shalt  }
0x6b: {  	_ =	shalt  }
0x6c: {  	_ =	shalt  }
0x6d: {  	_ =	shalt  }
0x6e: {  	_ =	shalt  }
0x6f: {  	_ =	shalt  }
0x70: {  	_ =	shalt  }
0x71: {  	_ =	shalt  }
0x72: {  	_ =	shalt  }
0x73: {  	_ =	shalt  }
0x74: {  	_ =	shalt  }
0x75: {  	_ =	shalt  }
0x76: {  	_ =	shalt  }
0x77: {  	_ =	shalt  }
0x78: {  	_ =	shalt  }
0x79: {  	_ =	shalt  }
0x7a: {  	_ =	shalt  }
0x7b: {  	_ =	shalt  }
0x7c: {  	_ =	shalt  }
0x7d: {  	_ =	shalt  }
0x7e: {  	_ =	shalt  }
0x7f: {  	_ =	shalt  }
0x80: {  	_ =	shalt  }
0x81: {  	_ =	shalt  }
0x82: {  	_ =	shalt  }
0x83: {  	_ =	shalt  }
0x84: {  	_ =	shalt  }
0x85: {  	_ =	shalt  }
0x86: {  	_ =	shalt  }
0x87: {  	_ =	shalt  }
.Lfunc_end0:
.L_simem_size_0:
called_computation_lowered:
.L_overlay_start_0:
0x88: {  	s2 =	sld [smem:$0x3FD9]  }
0x89: {  	s3 =	sld [smem:$0x3FFE];
	_ =	sdelay $0x1  }
0x8a: {  	s1 =	srdreg.scid  }
0x8b: {  	s0 =	sand.u32 $0x1, s1  }
0x8c: {  	s17 =	sshll.u32 s0, $0xA;
	s2 =	sadd.s32 s3, s2  }
0x8d: {  	s2 =	sadd.s32 s2, s17  }
0x8e: {  	[smem:$0x3FBE] =	sst s2  }
0x8f: {  	_ = 	snop  }
0x90: {  	s2 =	sld [smem:$0x3FD0];
	(tm) =	ssettm $0x1  }
0x91: {  	s18 =	sld [smem:$0x3FFB];
	_ =	sdelay $0x3  }
0x92: {  	_ =	strace s18  }
0x93: {  	s3 =	sld [smem:$0x3FFC];
	_ =	sdelay $0x3  }
0x94: {  	_ =	strace s3  }
0x95: {  	s3 =	sld [smem:$0x3FFD];
	_ =	sdelay $0x3  }
0x96: {  	_ =	strace s3  }
0x97: {  	_ =	strace $0x8FFFFFFF  }
0x98: {  	s19 =	sld [smem:$0x3FDB];
	_ =	sdelay $0x1  }
0x99: {  	s4 =	simm.s32 $_scs_section_size  }
0x9a: {  	s5 =	simm.s32 $_size__tile_overlayer_lowered;
	s6 =	simm.s32 $_tile_overlayer_lowered  }
0x9b: {  	s22 =	simm.s32 $0x1BFF;
	s21 =	sshll.u32 s6, $0x1;
	s3 =	sadd.s32 s4, s19  }
0x9c: {  	s7 =	simm.s32 $0x0;
	s20 =	sshll.u32 s5, $0x1;
	s5 =	sadd.s32 s21, s3  }
0x9d: {  	[timem:s7], [sflag:s22] =	dma.local [hbm:s5], s20  }
0x9e: {  	_ =	swait.ge [sflag:s22], s20  }
0x9f: {  	s4 =	ssub.s32 $0x0, s20;
	[sflag:s22] =	ssyncset.done $0x0  }
0xa0: {  	[sflag:s22] =	ssyncadd.s32 s4;
	_ =	sdelay $0x1  }
0xa1: {  	s23 =	simm.s32 $0x1B8B  }
0xa2: {  	_ =	swait.ge [sflag:s23], $0x1  }
0xa3: {  	[sflag:s23] =	ssyncset.done $0x0  }
0xa4: {  	s25 =	simm.s32 $0x1B8E;
	s24 =	sld [smem:$0x3FFE];
	[sflag:s23] =	ssyncadd.s32 $0xFFFFFFFF  }
0xa5: {  	s26 =	simm.s32 $execute0_lowered;
	[smem:$0x3FD2] =	sst s25  }
0xa6: {  	s5 =	sshll.u32 s26, $0x1;
	_ =	strace $0x80000046;
	[dreg:$0x1] =	wrdreg $0xFFFFFFFF  }
0xa7: {  	s28 =	simm.s32 $_size_execute0_lowered;
	s3 =	sadd.s32 s3, s5;
	[dreg:$0x0] =	wrdreg $0x0  }
0xa8: {  	s5 =	sshll.u32 s28, $0x1;
	[dreg:$0x2] =	wrdreg s3  }
0xa9: {  	[dreg:$0x3] =	wrdreg s5  }
0xaa: {  	[dreg:$0x4] =	wrdreg $0xC0  }
0xab: {  	_ =	task [dreg:s7], $0x5FFFF  }
0xac: {  	[dreg:$0x1] =	wrdreg $0xFFFFFFFF  }
0xad: {  	[dreg:$0x0] =	wrdreg $0x60  }
0xae: {  	[dreg:$0x2] =	wrdreg s24  }
0xaf: {  	[dreg:$0x3] =	wrdreg s2  }
0xb0: {  	[dreg:$0x4] =	wrdreg $0x2C800  }
0xb1: {  	[dreg:$0x5] =	wrdreg $0x9  }
0xb2: {  	_ =	task.clear_ibuf [dreg:s7], $0x6FFFF;
	_ =	strace $0x90000046  }
0xb3: {  	s29 =	simm.s32 $0x9;
	_ =	strace $0x80000048  }
0xb4: {  	_ =	swait.ge [sflag:s29], $0x1  }
0xb5: {  	[sflag:s29] =	ssyncadd.s32 $0xFFFFFFFF  }
0xb6: {  	_ =	strace $0x90000048  }
0xb7: {  	_ =	sfence  }
0xb8: {  	s30 =	sld [smem:$0x0];
	_ =	sdelay $0x2  }
0xb9: {  	s31 =	sshll.u32 s1, $0xD;
	s1 =	sshrl.u32 s1, $0x2  }
0xba: {  	s3 =	sand.u32 $0x4000, s31;
	s1 =	sadd.s32 s1, s30  }
0xbb: {  	s0 =	sor.u32 s3, s0;
	s1 =	sshll.u32 s1, $0x11  }
0xbc: {  	s0 =	sor.u32 s1, s0  }
0xbd: {  	s0 =	sadd.s32 $0x8F2B, s0  }
0xbe: {  	[sflag:s0] =	ssyncadd.remote.s32 $0x1  }
0xbf: {  	_ =	sfence.sel $0xFFFF  }
0xc0: {  	[dreg:$0x0] =	wrdreg $0xFFFFFFFF;
	(pc) =	sbr.abs _section_cstart, $3  }
0xc1: {  	[dreg:$0x1] =	wrdreg $0xFFFFFFFF  }
0xc2: {  	_ =	task.clear_ibuf [dreg:s7], $0x2FFFF;
	_ =	strace $0x9FFFFFFF  }
0xc3: {  	(tm) =	ssettm $0x7FFFFFFF  }
tec
execute0_lowered:
.L_overlay_start_1:
0x0: {  	(tag) =	ssettag $0x1  }
0x1: {  	s5 =	rddreg [dreg:$0x0]  }
0x2: {  	s0 =	srdreg.scid;
	s8 =	rddreg [dreg:$0x1]  }
0x3: {  	s2 =	rddreg [dreg:$0x2];
	s3 =	simm.s32 $0x0;
	s12 =	simm.s32 $0x50  }
0x4: {  	s13 =	simm.s32 $0x2800;
	s6 =	sand.u32 $0x1, s0;
	s0 =	stileid.u32  }
0x5: {  	s14 =	simm.s32 $0x0;
	[smem:$0x7FF] =	sst s3;
	s7 =	smul.u32 $0x3E8, s0  }
0x6: {  	s1 =	sshll.u32 s6, $0x4;
	s9 =	smul.u32 $0x2710, s6;
	s6 =	ssub.s32 $0x2, s6  }
0x7: {  	p0 =	sgt.u32 s0, $0x9;
	s4 =	sor.u32 s0, s1;
	s1 =	rddreg [dreg:$0x3]  }
0x8: {  	_ =	strace $0x80000047;
	s11 =	sshrl.u32 s6, $0x1;
	s4 =	smul.u32 $0x4E2, s4  }
0x9: {  	s9 =	sadd.s32 s7, s9;
	s11 =	ssub.s32 s6, s11;
	s6 =	sadd.s32 s7, s2  }
0xa: {  	s9 =	sshrl.u32 s9, $0x3;
	s10 =	sadd.s32 s4, s5;
	s4 =	sadd.s32 $0x17A00, s5  }
0xb: {  	s5 =	sadd.s32 $0x17800, s5;
	s8 =	sadd.s32 s8, s9;
	s9 =	smax.u32 s11, $0x1  }
0xc: {  	s11 =	simm.s32 $0x80;
	s7 =	sadd.s32 $0xDA00, s10;
	s10 =	simm.s32 $0x1  }
.LBB2_1:
0xd: {  	s15 =	simm.s32 @!p0 $0x0;
	s16 =	simm.s32 @!p0 $0x2880  }
0xe: {  	[tilespmem:s16], [sflag:$0x1] =	stream.linear.gather @!p0 [hbm4b:s5+s15], $0x400, $0x38;
	[tilespmem:$0x2EF8] =	vst v63  }
0xf: {  	s15 =	simm.s32 @!p0 $0x1  }
0x10: {  	_ =	swait.ge @!p0 [sflag:s15], $0x400  }
0x11: {  	[sflag:s15] =	ssyncset.done @!p0 $0x0  }
0x12: {  	[sflag:s15] =	ssyncadd.s32 @!p0 $0xFFFFFC00  }
0x13: {  	[spmem:s6] =	stream.linear.scatter @!p0 [tilespmem:s16], [sflag:$0x1], $0x3E8, $0x38;
	[tilespmem:$0x2EF8] =	vst v63  }
0x14: {  	_ =	swait.ge @!p0 [sflag:s15], $0x3E8  }
0x15: {  	[sflag:s15] =	ssyncset.done @!p0 $0x0  }
0x16: {  	[sflag:s15] =	ssyncadd.s32 @!p0 $0xFFFFFC18  }
0x17: {  	[tilespmem:s3], [sflag:$0x1] =	stream.linear.gather [hbm4b:s4+s3], $0x80, $0x38;
	[tilespmem:$0x2EF8] =	vst v63  }
0x18: {  	_ =	swait.ge [sflag:s10], $0x80  }
0x19: {  	[sflag:s10] =	ssyncset.done $0x0  }
0x1a: {  	[sflag:s10] =	ssyncadd.s32 $0xFFFFFF80  }
0x1b: {  	[tilespmem:s11], [sflag:$0x1] =	stream.linear.gather [hbm4b:s7+s3], $0x2710, $0x38;
	[tilespmem:$0x2EF8] =	vst v63  }
0x1c: {  	_ =	swait.ge [sflag:s10], $0x2710  }
0x1d: {  	[sflag:s10] =	ssyncset.done $0x0  }
0x1e: {  	[sflag:s10] =	ssyncadd.s32 $0xFFFFD8F0  }
0x1f: {  	s31 =	simm.s32 $0x0;
	[bflag:$0x0] =	sbarrier.arrive $0xFFFF  }
0x20: {  	v0 =	vld [tilespmem:s31+$0x80];
	_ =	sdelay $0x4  }
0x21: {  	[tilespmem:$0x2800] =	vst v0  }
0x22: {  	v0 =	vld [tilespmem:s31+$0x90];
	_ =	sdelay $0x4  }
0x23: {  	[tilespmem:$0x2810] =	vst v0  }
0x24: {  	v0 =	vld [tilespmem:s31+$0xA0];
	_ =	sdelay $0x4  }
0x25: {  	[tilespmem:$0x2820] =	vst v0  }
0x26: {  	v0 =	vld [tilespmem:s31+$0xB0];
	_ =	sdelay $0x4  }
0x27: {  	[tilespmem:$0x2830] =	vst v0  }
0x28: {  	v0 =	vld [tilespmem:s31+$0xC0];
	_ =	sdelay $0x4  }
0x29: {  	[tilespmem:$0x2840] =	vst v0  }
0x2a: {  	[spmem:s2] =	stream.indirect.scatter.add.f32 [tilespmem:s3], [sflag:$0x1], $0x1, s13, s12, $0xb8;
	[tilespmem:$0x2EF8] =	vst v63  }
0x2b: {  	_ =	swait.ge [sflag:s10], $0x50  }
0x2c: {  	s16 =	simm.s32 $0x280;
	s15 =	simm.s32 $0x140;
	[sflag:s10] =	ssyncset.done $0x0  }
.LBB2_2:
0x2d: {  	s17 =	sshra.s32 s15, $0x2  }
0x2e: {  	[sflag:s10] =	ssyncadd.s32 $0xFFFFFFB0;
	s15 =	smov.u32 s16;
	s18 =	sadd.s32 $0x140, s16  }
0x2f: {  	p1 =	sne.s32 s16, $0x9B00;
	v0 =	vld [tilespmem:s17+$0x80];
	_ =	sdelay $0x4  }
0x30: {  	[tilespmem:$0x2800] =	vst v0  }
0x31: {  	v0 =	vld [tilespmem:s17+$0x90];
	_ =	sdelay $0x4  }
0x32: {  	[tilespmem:$0x2810] =	vst v0  }
0x33: {  	v0 =	vld [tilespmem:s17+$0xA0];
	_ =	sdelay $0x4  }
0x34: {  	[tilespmem:$0x2820] =	vst v0  }
0x35: {  	v0 =	vld [tilespmem:s17+$0xB0];
	_ =	sdelay $0x4  }
0x36: {  	[tilespmem:$0x2830] =	vst v0  }
0x37: {  	v0 =	vld [tilespmem:s17+$0xC0];
	_ =	sdelay $0x3  }
.Ltmp0:
0x38: {  	(pc) =	sbr.rel @p1 .LBB2_2-.Ltmp0, $4  }
0x39: {  	[tilespmem:$0x2840] =	vst v0  }
0x3a: {  	[spmem:s2] =	stream.indirect.scatter.add.f32 [tilespmem:s3], [sflag:$0x1], $0x1, s13, s12, $0xb8;
	[tilespmem:$0x2EF8] =	vst v63  }
0x3b: {  	_ =	swait.ge [sflag:s10], $0x50  }
0x3c: {  	s16 =	smov.u32 s18;
	[sflag:s10] =	ssyncset.done $0x0  }
0x3d: {  	s15 =	sshra.s32 s15, $0x2;
	[sflag:s10] =	ssyncadd.s32 $0xFFFFFFB0  }
0x3e: {  	v0 =	vld [tilespmem:s15+$0x80];
	_ =	sdelay $0x4  }
0x3f: {  	[tilespmem:$0x2800] =	vst v0  }
0x40: {  	v0 =	vld [tilespmem:s15+$0x90];
	_ =	sdelay $0x4  }
0x41: {  	[tilespmem:$0x2810] =	vst v0  }
0x42: {  	v0 =	vld [tilespmem:s15+$0xA0];
	_ =	sdelay $0x4  }
0x43: {  	[tilespmem:$0x2820] =	vst v0  }
0x44: {  	v0 =	vld [tilespmem:s15+$0xB0];
	_ =	sdelay $0x4  }
0x45: {  	[tilespmem:$0x2830] =	vst v0  }
0x46: {  	v0 =	vld [tilespmem:s15+$0xC0];
	_ =	sdelay $0x4  }
0x47: {  	[tilespmem:$0x2840] =	vst v0  }
0x48: {  	[spmem:s2] =	stream.indirect.scatter.add.f32 [tilespmem:s3], [sflag:$0x1], $0x1, s13, s12, $0xb8;
	[tilespmem:$0x2EF8] =	vst v63  }
0x49: {  	_ =	swait.ge [sflag:s10], $0x50  }
0x4a: {  	[sflag:s10] =	ssyncset.done $0x0  }
0x4b: {  	[sflag:s10] =	ssyncadd.s32 $0xFFFFFFB0  }
0x4c: {  	s16 =	simm.s32 @!p0 $0x1;
	s15 =	simm.s32 @!p0 $0x2880;
	[bflag:$0x0] =	sbarrier.arrive $0xFFFF  }
0x4d: {  	[tilespmem:s15], [sflag:$0x1] =	stream.linear.gather @!p0 [spmem:s6], $0x3E8, $0x38;
	[tilespmem:$0x2EF8] =	vst v63  }
0x4e: {  	s14 =	sadd.s32 $0x1, s14;
	_ =	swait.ge @!p0 [sflag:s16], $0x3E8  }
0x4f: {  	p1 =	sne.s32 s14, s9;
	[sflag:s16] =	ssyncset.done @!p0 $0x0  }
.Ltmp1:
0x50: {  	s17 =	simm.s32 @!p0 $0x0;
	[sflag:s16] =	ssyncadd.s32 @!p0 $0xFFFFFC18;
	(pc) =	sbr.rel @p1 .LBB2_1-.Ltmp1, $4  }
0x51: {  	[hbm4b:s8+s17] =	stream.linear.scatter @!p0 [tilespmem:s15], [sflag:$0x1], $0x3E8, $0x38;
	[tilespmem:$0x2EF8] =	vst v63  }
0x52: {  	_ =	swait.ge @!p0 [sflag:s16], $0x3E8  }
0x53: {  	[sflag:s16] =	ssyncset.done @!p0 $0x0  }
0x54: {  	[sflag:s16] =	ssyncadd.s32 @!p0 $0xFFFFFC18  }
0x55: {  	_ =	sfence.sel $0x180000  }
0x56: {  	[bflag:$0x0] =	sbarrier.arrive $0xFFFF  }
0x57: {  	p0 =	sne.s32 s0, $0x0;
	_ =	strace $0x90000047  }
0x58: {  	s0 =	sadd.s32 @!p0 $0x100000, s1;
	[bflag:$0x2] =	sbarrier.arrive $0xFFFF  }
0x59: {  	[sflag:s0] =	ssyncadd.tile.s32 @!p0 $0x1;
	_ =	shalt  }
.Lfunc_end2:
_tile_overlayer_lowered:
.L_overlay_start_2:
0x5a: {  	(tag) =	ssettag $0x2  }
0x5b: {  	s0 =	rddreg [dreg:$0x0];
	s2 =	stileid.u32  }
0x5c: {  	s1 =	rddreg [dreg:$0x1];
	p0 =	sne.s32 s2, $0x0  }
0x5d: {  	s3 =	rddreg [dreg:$0x2];
	[bflag:$0x3] =	sbarrier.arrive $0xFFFF;
	s2 =	simm.s32 @!p0 $0x1C01  }
0x5e: {  	[timem:s3], [sflag:s2] =	dma.local @!p0 [hbm:s0], s1  }
0x5f: {  	s0 =	simm.s32 @!p0 $0x1  }
0x60: {  	_ =	swait.ge @!p0 [sflag:s0], s1  }
0x61: {  	s1 =	ssub.s32 @!p0 $0x0, s1;
	[sflag:s0] =	ssyncset.done @!p0 $0x0  }
0x62: {  	[sflag:s0] =	ssyncadd.s32 @!p0 s1  }
0x63: {  	[bflag:$0x3] =	sbarrier.arrive $0xFFFF  }
0x64: {  	_ =	shalt  }

</sc_bundles>
